<compile_context>
chip_gen: v7x
topology: tpu7x:2x2x1
jax: 0.10.2.dev20260603
libtpu: 0.0.44.dev20260713+nightly
codegen_flags: <defaults>
</compile_context>

<pallas_src>
import functools

import jax
import jax.numpy as jnp
import numpy as np
from jax import lax
from jax.experimental import pallas as pl
from jax.experimental.pallas import tpu as pltpu
from jax.experimental.pallas import tpu_sc as plsc

B = 4096
K = 128
NW = 32
ROWS_W = B // NW
LANES = 16

V_PAD = 100352
ZCH = V_PAD // 16
ZSUB = ZCH // 8

AUG = 136
TILE = 512
T = B // TILE
_PAIRS = np.array(
    [(i, j) for i in range(T) for j in range(i, T)], dtype=np.int32
)
P = len(_PAIRS)


HALF = ROWS_W // 2


def _sc_body(table_hbm, lab_hbm, emb_hbm, e_out_hbm, part_out_hbm,
             lab_v, idxc_v, c_v, e_v, emb_v, part_v,
             counts_sh, zero_v, hlab_v, hcnt_v, ones_v,
             sem_c, sem_c2, sem_m, sem_e, sem_o, sem_h):
    cid = lax.axis_index("c")
    sid = lax.axis_index("s")
    wid = sid * 2 + cid
    base = wid * ROWS_W

    get_m = pltpu.async_copy(emb_hbm.at[pl.ds(base, ROWS_W)], emb_v, sem_m)
    pltpu.sync_copy(lab_hbm.at[wid], lab_v)
    for k in range(ROWS_W // LANES):
        sl = pl.ds(k * LANES, LANES)
        idxc_v[sl] = lab_v[sl] - 1

    gat_c1 = pltpu.async_copy(
        table_hbm.at[idxc_v.at[pl.ds(0, HALF)]],
        c_v.at[pl.ds(0, HALF)], sem_c)
    gat_c2 = pltpu.async_copy(
        table_hbm.at[idxc_v.at[pl.ds(HALF, HALF)]],
        c_v.at[pl.ds(HALF, HALF)], sem_c2)
    gat_e = pltpu.async_copy(table_hbm.at[lab_v], e_v, sem_e)

    @pl.when(cid == 0)
    def _():
        def zfill(i, _):
            zero_v[pl.ds(i * LANES, LANES)] = jnp.zeros((LANES,), jnp.float32)
            return 0
        lax.fori_loop(0, ZSUB // LANES, zfill, 0)
        for k in range(ROWS_W // LANES):
            ones_v[pl.ds(k * LANES, LANES)] = jnp.ones((LANES,), jnp.float32)
        pltpu.sync_copy(lab_hbm.at[2 * sid + 1], hlab_v)
        for j in range(ZCH // ZSUB):
            pltpu.sync_copy(
                zero_v, counts_sh.at[pl.ds(sid * ZCH + j * ZSUB, ZSUB)])
        plsc.subcore_barrier()
        pltpu.sync_copy(ones_v, counts_sh.at[lab_v], add=True)
        pltpu.sync_copy(ones_v, counts_sh.at[hlab_v], add=True)
        plsc.subcore_barrier()

    def center_half(lo, acc0):
        def row_step(i, a):
            r0 = lo + 2 * i
            for rr in range(2):
                for k in range(K // LANES):
                    sl = pl.ds(k * LANES, LANES)
                    d = emb_v[r0 + rr, sl] - c_v[r0 + rr, sl]
                    a = a + d * d
            return a
        return lax.fori_loop(0, HALF // 2, row_step, acc0)

    gat_e.wait()
    put_e = pltpu.async_copy(e_v, e_out_hbm.at[pl.ds(base, ROWS_W)], sem_o)
    get_m.wait()
    gat_c1.wait()
    acc = center_half(0, jnp.zeros((LANES,), jnp.float32))
    gat_c2.wait()
    acc = center_half(HALF, acc)

    @pl.when(cid == 0)
    def _():
        hacc = jnp.zeros((LANES,), jnp.float32)
        pltpu.async_copy(counts_sh.at[lab_v], hcnt_v, sem_h).wait()
        for k in range(ROWS_W // LANES):
            hacc = hacc + hcnt_v[pl.ds(k * LANES, LANES)]
        pltpu.async_copy(counts_sh.at[hlab_v], hcnt_v, sem_h).wait()
        for k in range(ROWS_W // LANES):
            hacc = hacc + hcnt_v[pl.ds(k * LANES, LANES)]
        part_v[...] = acc - 0.0625 * hacc

    @pl.when(cid != 0)
    def _():
        part_v[...] = acc

    pltpu.sync_copy(part_v, part_out_hbm.at[wid])
    put_e.wait()


def _sc_gather_center(table, lab2, emb):
    mesh = plsc.VectorSubcoreMesh(core_axis_name="c", subcore_axis_name="s")
    fn = functools.partial(
        pl.kernel,
        out_type=(
            jax.ShapeDtypeStruct((B, K), jnp.float32),
            jax.ShapeDtypeStruct((NW, LANES), jnp.float32),
        ),
        mesh=mesh,
        scratch_types=[
            pltpu.VMEM((ROWS_W,), jnp.int32),
            pltpu.VMEM((ROWS_W,), jnp.int32),
            pltpu.VMEM((ROWS_W, K), jnp.float32),
            pltpu.VMEM((ROWS_W, K), jnp.float32),
            pltpu.VMEM((ROWS_W, K), jnp.float32),
            pltpu.VMEM((LANES,), jnp.float32),
            pltpu.VMEM_SHARED((V_PAD,), jnp.float32),
            pltpu.VMEM((ZSUB,), jnp.float32),
            pltpu.VMEM((ROWS_W,), jnp.int32),
            pltpu.VMEM((ROWS_W,), jnp.float32),
            pltpu.VMEM((ROWS_W,), jnp.float32),
            pltpu.SemaphoreType.DMA,
            pltpu.SemaphoreType.DMA,
            pltpu.SemaphoreType.DMA,
            pltpu.SemaphoreType.DMA,
            pltpu.SemaphoreType.DMA,
            pltpu.SemaphoreType.DMA,
        ],
    )(_sc_body)
    return fn(table, lab2, emb)


def _tc_loss_body(e_ref, part_ref, out_ref, aa_ref, bb_ref):
    p = pl.program_id(0)

    @pl.when(p == 0)
    def _():
        e = e_ref[...]
        sq = jnp.sum(e * e, axis=1, keepdims=True)
        r = 0.5 - sq
        sqrt2 = np.float32(np.sqrt(2.0))
        s2e = e * sqrt2
        onec = jnp.ones((B, 1), jnp.float32)
        zpad = jnp.zeros((B, AUG - K - 2), jnp.float32)
        aa_ref[...] = jnp.concatenate(
            [s2e, r, onec, zpad], axis=1).astype(jnp.bfloat16)
        bb_ref[...] = jnp.concatenate(
            [s2e, onec, r, zpad], axis=1).astype(jnp.bfloat16)

    @pl.when(p == 1)
    def _():
        sums = []
        for ti, tj in _PAIRS:
            w = np.float32(0.0625 if ti == tj else 0.125)
            ai = aa_ref[ti * TILE:(ti + 1) * TILE, :]
            bj = bb_ref[tj * TILE:(tj + 1) * TILE, :]
            g = lax.dot_general(
                ai, bj, (((1,), (1,)), ((), ())),
                preferred_element_type=jnp.float32,
            )
            hinge = jnp.maximum(0.0, g)
            sums.append(w * jnp.sum(hinge, axis=0, keepdims=True))
        tot = sums[0]
        for s in sums[1:]:
            tot = tot + s
        out_ref[0, 0] = jnp.sum(tot) + jnp.sum(part_ref[...])


def _tc_loss(e_rows, parts):
    return pl.pallas_call(
        _tc_loss_body,
        grid=(2,),
        in_specs=[
            pl.BlockSpec((B, K), lambda p: (0, 0)),
            pl.BlockSpec((NW, LANES), lambda p: (0, 0)),
        ],
        out_specs=pl.BlockSpec(memory_space=pltpu.SMEM),
        out_shape=jax.ShapeDtypeStruct((1, 1), jnp.float32),
        scratch_shapes=[
            pltpu.VMEM((B, AUG), jnp.bfloat16),
            pltpu.VMEM((B, AUG), jnp.bfloat16),
        ],
    )(e_rows, parts)


def kernel(embeddings, labels, table):
    labels = labels.astype(jnp.int32)
    lab2 = labels.reshape(NW, ROWS_W)
    e_rows, parts = _sc_gather_center(table, lab2, embeddings)
    loss = _tc_loss(e_rows, parts)
    return loss[0, 0]

# --- scband reference (transcript-rebuilt; emitter-appended) ---
"""Pipeline reference for scband-center-embedding-model-86457691668703 (READ-ONLY COPY).

The authoritative reference and input builder live on the scoring server;
editing this copy changes nothing except your own understanding.
"""

import jax, jax.numpy as jnp
import numpy as np

B = 4096
K = 128
V = 100000

def setup_inputs(seed: int = 0) -> dict:
    key = jax.random.key(seed)
    k1, k2, k3 = jax.random.split(key, 3)
    embeddings = jax.random.normal(k1, (B, K), dtype=jnp.float32)
    # labels in [1, V-1] so that both `labels` and `labels - 1` are valid row indices
    labels = jax.random.randint(k2, (B,), 1, V, dtype=jnp.int64 if jax.config.read('jax_enable_x64') else jnp.int32)
    table = jax.random.normal(k3, (V, K), dtype=jnp.float32) * 0.02
    return {"embeddings": embeddings, "labels": labels, "table": table}

def reference(embeddings, labels, table):
    # center loss: sum_b || emb_b - table[label_b - 1] ||^2
    mean_embeddings = jnp.take(table, labels - 1, axis=0)
    center_loss = jnp.sum(jnp.sum(jnp.square(embeddings - mean_embeddings), axis=1))

    # pairwise hinge over label embeddings: for i,j in labels, if label_i != label_j:
    #   d = ||table[i] - table[j]||^2 ; loss += max(0, 1 - d)
    E = jnp.take(table, labels, axis=0)  # [B, K]
    sq = jnp.sum(E * E, axis=1)  # [B]
    D = sq[:, None] + sq[None, :] - 2.0 * (E @ E.T)  # [B, B] squared distances
    hinge = jnp.maximum(0.0, 1.0 - D)
    mask = (labels[:, None] != labels[None, :]).astype(jnp.float32)
    embedding_loss = jnp.sum(hinge * mask)

    return center_loss + embedding_loss / 16.0

if __name__ == "__main__":
    import jax
    _d = setup_inputs()
    print(jax.jit(kernel)(*tuple(_d.values())))

</pallas_src>

<mosaic_0001>
#map = affine_map<(d0, d1) -> (0, 0)>
module attributes {stable_mosaic.version = 14 : i64} {
  func.func @_sc_body(%arg0: i32, %arg1: i32, %arg2: memref<100000x128xf32, #tpu.memory_space<hbm>>, %arg3: memref<32x128xi32, #tpu.memory_space<hbm>>, %arg4: memref<4096x128xf32, #tpu.memory_space<hbm>>, %arg5: memref<4096x128xf32, #tpu.memory_space<hbm>>, %arg6: memref<32x16xf32, #tpu.memory_space<hbm>>, %arg7: memref<128xi32, #tpu.memory_space<vmem>>, %arg8: memref<128xi32, #tpu.memory_space<vmem>>, %arg9: memref<128x128xf32, #tpu.memory_space<vmem>>, %arg10: memref<128x128xf32, #tpu.memory_space<vmem>>, %arg11: memref<128x128xf32, #tpu.memory_space<vmem>>, %arg12: memref<16xf32, #tpu.memory_space<vmem>>, %arg13: memref<100352xf32, #tpu.memory_space<vmem_shared>>, %arg14: memref<784xf32, #tpu.memory_space<vmem>>, %arg15: memref<128xi32, #tpu.memory_space<vmem>>, %arg16: memref<128xf32, #tpu.memory_space<vmem>>, %arg17: memref<128xf32, #tpu.memory_space<vmem>>, %arg18: memref<!tpu.dma_semaphore, #tpu.memory_space<semaphore_mem>>, %arg19: memref<!tpu.dma_semaphore, #tpu.memory_space<semaphore_mem>>, %arg20: memref<!tpu.dma_semaphore, #tpu.memory_space<semaphore_mem>>, %arg21: memref<!tpu.dma_semaphore, #tpu.memory_space<semaphore_mem>>, %arg22: memref<!tpu.dma_semaphore, #tpu.memory_space<semaphore_mem>>, %arg23: memref<!tpu.dma_semaphore, #tpu.memory_space<semaphore_mem>>) attributes {dimension_semantics = [#tpu.dimension_semantics<core_parallel>, #tpu.dimension_semantics<subcore_parallel>], iteration_bounds = array<i64: 2, 16>, scalar_prefetch = 0 : i64, scratch_operands = 17 : i64, tpu.core_type = #tpu.core_type<sc_vector_subcore>, window_params = [{transform_indices = #map}, {transform_indices = #map}, {transform_indices = #map}, {transform_indices = #map}, {transform_indices = #map}]} {
    %mul3A = arith.constant 2 : i32
    %mul3A_0 = arith.muli %arg1, %mul3A : i32
    %add3A = arith.addi %mul3A_0, %arg0 : i32
    %mul3A_1 = arith.constant 128 : i32
    %mul3A_2 = arith.muli %add3A, %mul3A_1 : i32
    %dma_start3A = arith.constant 0 : i32
    %dma_start3A_3 = tpu.memref_slice %arg4[%mul3A_2, %dma_start3A] : memref<4096x128xf32, #tpu.memory_space<hbm>> -> memref<128x128xf32, #tpu.memory_space<hbm>>
    %dma_start3A_4 = arith.constant 0 : i32
    %dma_start3A_5 = tpu.memref_slice %arg4[%mul3A_2, %dma_start3A_4] : memref<4096x128xf32, #tpu.memory_space<hbm>> -> memref<128x128xf32, #tpu.memory_space<hbm>>
    tpu.enqueue_dma source(%dma_start3A_5 : memref<128x128xf32, #tpu.memory_space<hbm>>) target(%arg11 : memref<128x128xf32, #tpu.memory_space<vmem>>) target_semaphore(%arg20 : memref<!tpu.dma_semaphore, #tpu.memory_space<semaphore_mem>>)
    "tpu.region"() ({
      %run_scoped3A = tpu.sem_alloc : memref<!tpu.dma_semaphore, #tpu.memory_space<semaphore_mem>>
      %dma_start3A_155 = arith.constant 0 : i32
      %dma_start3A_156 = tpu.memref_slice %arg3[%add3A, %dma_start3A_155] : memref<32x128xi32, #tpu.memory_space<hbm>> -> memref<1x128xi32, #tpu.memory_space<hbm>>
      %dma_start3A_157 = tpu.memref_squeeze %dma_start3A_156 : memref<1x128xi32, #tpu.memory_space<hbm>> -> memref<128xi32, #tpu.memory_space<hbm>>
      %dma_start3A_158 = arith.constant 0 : i32
      %dma_start3A_159 = tpu.memref_slice %arg3[%add3A, %dma_start3A_158] : memref<32x128xi32, #tpu.memory_space<hbm>> -> memref<1x128xi32, #tpu.memory_space<hbm>>
      %dma_start3A_160 = tpu.memref_squeeze %dma_start3A_159 : memref<1x128xi32, #tpu.memory_space<hbm>> -> memref<128xi32, #tpu.memory_space<hbm>>
      tpu.enqueue_dma source(%dma_start3A_160 : memref<128xi32, #tpu.memory_space<hbm>>) target(%arg7 : memref<128xi32, #tpu.memory_space<vmem>>) target_semaphore(%run_scoped3A : memref<!tpu.dma_semaphore, #tpu.memory_space<semaphore_mem>>)
      %dma_wait3A_161 = arith.constant 0 : i32
      %dma_wait3A_162 = tpu.memref_slice %arg3[%add3A, %dma_wait3A_161] : memref<32x128xi32, #tpu.memory_space<hbm>> -> memref<1x128xi32, #tpu.memory_space<hbm>>
      %dma_wait3A_163 = tpu.memref_squeeze %dma_wait3A_162 : memref<1x128xi32, #tpu.memory_space<hbm>> -> memref<128xi32, #tpu.memory_space<hbm>>
      %dma_wait3A_164 = arith.constant 0 : i32
      %dma_wait3A_165 = tpu.memref_slice %arg3[%add3A, %dma_wait3A_164] : memref<32x128xi32, #tpu.memory_space<hbm>> -> memref<1x128xi32, #tpu.memory_space<hbm>>
      %dma_wait3A_166 = tpu.memref_squeeze %dma_wait3A_165 : memref<1x128xi32, #tpu.memory_space<hbm>> -> memref<128xi32, #tpu.memory_space<hbm>>
      tpu.wait_dma2 semaphore(%run_scoped3A : memref<!tpu.dma_semaphore, #tpu.memory_space<semaphore_mem>>) src(%dma_wait3A_166 : memref<128xi32, #tpu.memory_space<hbm>>) dst(%arg7 : memref<128xi32, #tpu.memory_space<vmem>>)
      tpu.yield
    }) : () -> ()
    %get3A = arith.constant 0 : index
    %get3A_6 = tpu.vector_load %arg7[%get3A] {strides = array<i32>} : memref<128xi32, #tpu.memory_space<vmem>>, vector<16xi32>,
    %get3A_7 = vector.shape_cast %get3A_6 : vector<16xi32> to vector<16xi32>
    %sub3A = arith.constant 1 : i32
    %sub3A_8 = vector.broadcast %sub3A : i32 to vector<16xi32>
    %sub3A_9 = arith.subi %get3A_7, %sub3A_8 : vector<16xi32>
    %swap3A = arith.constant 0 : index
    %swap3A_10 = tpu.vector_load %arg8[%swap3A] {strides = array<i32>} : memref<128xi32, #tpu.memory_space<vmem>>, vector<16xi32>,
    %swap3A_11 = vector.shape_cast %swap3A_10 : vector<16xi32> to vector<16xi32>
    %swap3A_12 = vector.shape_cast %sub3A_9 : vector<16xi32> to vector<16xi32>
    tpu.vector_store %arg8[%swap3A], %swap3A_12 {strides = array<i32>} : memref<128xi32, #tpu.memory_space<vmem>>, vector<16xi32>,
    %get3A_13 = arith.constant 16 : index
    %get3A_14 = tpu.vector_load %arg7[%get3A_13] {strides = array<i32>} : memref<128xi32, #tpu.memory_space<vmem>>, vector<16xi32>,
    %get3A_15 = vector.shape_cast %get3A_14 : vector<16xi32> to vector<16xi32>
    %sub3A_16 = arith.constant 1 : i32
    %sub3A_17 = vector.broadcast %sub3A_16 : i32 to vector<16xi32>
    %sub3A_18 = arith.subi %get3A_15, %sub3A_17 : vector<16xi32>
    %swap3A_19 = arith.constant 16 : index
    %swap3A_20 = tpu.vector_load %arg8[%swap3A_19] {strides = array<i32>} : memref<128xi32, #tpu.memory_space<vmem>>, vector<16xi32>,
    %swap3A_21 = vector.shape_cast %swap3A_20 : vector<16xi32> to vector<16xi32>
    %swap3A_22 = vector.shape_cast %sub3A_18 : vector<16xi32> to vector<16xi32>
    tpu.vector_store %arg8[%swap3A_19], %swap3A_22 {strides = array<i32>} : memref<128xi32, #tpu.memory_space<vmem>>, vector<16xi32>,
    %get3A_23 = arith.constant 32 : index
    %get3A_24 = tpu.vector_load %arg7[%get3A_23] {strides = array<i32>} : memref<128xi32, #tpu.memory_space<vmem>>, vector<16xi32>,
    %get3A_25 = vector.shape_cast %get3A_24 : vector<16xi32> to vector<16xi32>
    %sub3A_26 = arith.constant 1 : i32
    %sub3A_27 = vector.broadcast %sub3A_26 : i32 to vector<16xi32>
    %sub3A_28 = arith.subi %get3A_25, %sub3A_27 : vector<16xi32>
    %swap3A_29 = arith.constant 32 : index
    %swap3A_30 = tpu.vector_load %arg8[%swap3A_29] {strides = array<i32>} : memref<128xi32, #tpu.memory_space<vmem>>, vector<16xi32>,
    %swap3A_31 = vector.shape_cast %swap3A_30 : vector<16xi32> to vector<16xi32>
    %swap3A_32 = vector.shape_cast %sub3A_28 : vector<16xi32> to vector<16xi32>
    tpu.vector_store %arg8[%swap3A_29], %swap3A_32 {strides = array<i32>} : memref<128xi32, #tpu.memory_space<vmem>>, vector<16xi32>,
    %get3A_33 = arith.constant 48 : index
    %get3A_34 = tpu.vector_load %arg7[%get3A_33] {strides = array<i32>} : memref<128xi32, #tpu.memory_space<vmem>>, vector<16xi32>,
    %get3A_35 = vector.shape_cast %get3A_34 : vector<16xi32> to vector<16xi32>
    %sub3A_36 = arith.constant 1 : i32
    %sub3A_37 = vector.broadcast %sub3A_36 : i32 to vector<16xi32>
    %sub3A_38 = arith.subi %get3A_35, %sub3A_37 : vector<16xi32>
    %swap3A_39 = arith.constant 48 : index
    %swap3A_40 = tpu.vector_load %arg8[%swap3A_39] {strides = array<i32>} : memref<128xi32, #tpu.memory_space<vmem>>, vector<16xi32>,
    %swap3A_41 = vector.shape_cast %swap3A_40 : vector<16xi32> to vector<16xi32>
    %swap3A_42 = vector.shape_cast %sub3A_38 : vector<16xi32> to vector<16xi32>
    tpu.vector_store %arg8[%swap3A_39], %swap3A_42 {strides = array<i32>} : memref<128xi32, #tpu.memory_space<vmem>>, vector<16xi32>,
    %get3A_43 = arith.constant 64 : index
    %get3A_44 = tpu.vector_load %arg7[%get3A_43] {strides = array<i32>} : memref<128xi32, #tpu.memory_space<vmem>>, vector<16xi32>,
    %get3A_45 = vector.shape_cast %get3A_44 : vector<16xi32> to vector<16xi32>
    %sub3A_46 = arith.constant 1 : i32
    %sub3A_47 = vector.broadcast %sub3A_46 : i32 to vector<16xi32>
    %sub3A_48 = arith.subi %get3A_45, %sub3A_47 : vector<16xi32>
    %swap3A_49 = arith.constant 64 : index
    %swap3A_50 = tpu.vector_load %arg8[%swap3A_49] {strides = array<i32>} : memref<128xi32, #tpu.memory_space<vmem>>, vector<16xi32>,
    %swap3A_51 = vector.shape_cast %swap3A_50 : vector<16xi32> to vector<16xi32>
    %swap3A_52 = vector.shape_cast %sub3A_48 : vector<16xi32> to vector<16xi32>
    tpu.vector_store %arg8[%swap3A_49], %swap3A_52 {strides = array<i32>} : memref<128xi32, #tpu.memory_space<vmem>>, vector<16xi32>,
    %get3A_53 = arith.constant 80 : index
    %get3A_54 = tpu.vector_load %arg7[%get3A_53] {strides = array<i32>} : memref<128xi32, #tpu.memory_space<vmem>>, vector<16xi32>,
    %get3A_55 = vector.shape_cast %get3A_54 : vector<16xi32> to vector<16xi32>
    %sub3A_56 = arith.constant 1 : i32
    %sub3A_57 = vector.broadcast %sub3A_56 : i32 to vector<16xi32>
    %sub3A_58 = arith.subi %get3A_55, %sub3A_57 : vector<16xi32>
    %swap3A_59 = arith.constant 80 : index
    %swap3A_60 = tpu.vector_load %arg8[%swap3A_59] {strides = array<i32>} : memref<128xi32, #tpu.memory_space<vmem>>, vector<16xi32>,
    %swap3A_61 = vector.shape_cast %swap3A_60 : vector<16xi32> to vector<16xi32>
    %swap3A_62 = vector.shape_cast %sub3A_58 : vector<16xi32> to vector<16xi32>
    tpu.vector_store %arg8[%swap3A_59], %swap3A_62 {strides = array<i32>} : memref<128xi32, #tpu.memory_space<vmem>>, vector<16xi32>,
    %get3A_63 = arith.constant 96 : index
    %get3A_64 = tpu.vector_load %arg7[%get3A_63] {strides = array<i32>} : memref<128xi32, #tpu.memory_space<vmem>>, vector<16xi32>,
    %get3A_65 = vector.shape_cast %get3A_64 : vector<16xi32> to vector<16xi32>
    %sub3A_66 = arith.constant 1 : i32
    %sub3A_67 = vector.broadcast %sub3A_66 : i32 to vector<16xi32>
    %sub3A_68 = arith.subi %get3A_65, %sub3A_67 : vector<16xi32>
    %swap3A_69 = arith.constant 96 : index
    %swap3A_70 = tpu.vector_load %arg8[%swap3A_69] {strides = array<i32>} : memref<128xi32, #tpu.memory_space<vmem>>, vector<16xi32>,
    %swap3A_71 = vector.shape_cast %swap3A_70 : vector<16xi32> to vector<16xi32>
    %swap3A_72 = vector.shape_cast %sub3A_68 : vector<16xi32> to vector<16xi32>
    tpu.vector_store %arg8[%swap3A_69], %swap3A_72 {strides = array<i32>} : memref<128xi32, #tpu.memory_space<vmem>>, vector<16xi32>,
    %get3A_73 = arith.constant 112 : index
    %get3A_74 = tpu.vector_load %arg7[%get3A_73] {strides = array<i32>} : memref<128xi32, #tpu.memory_space<vmem>>, vector<16xi32>,
    %get3A_75 = vector.shape_cast %get3A_74 : vector<16xi32> to vector<16xi32>
    %sub3A_76 = arith.constant 1 : i32
    %sub3A_77 = vector.broadcast %sub3A_76 : i32 to vector<16xi32>
    %sub3A_78 = arith.subi %get3A_75, %sub3A_77 : vector<16xi32>
    %swap3A_79 = arith.constant 112 : index
    %swap3A_80 = tpu.vector_load %arg8[%swap3A_79] {strides = array<i32>} : memref<128xi32, #tpu.memory_space<vmem>>, vector<16xi32>,
    %swap3A_81 = vector.shape_cast %swap3A_80 : vector<16xi32> to vector<16xi32>
    %swap3A_82 = vector.shape_cast %sub3A_78 : vector<16xi32> to vector<16xi32>
    tpu.vector_store %arg8[%swap3A_79], %swap3A_82 {strides = array<i32>} : memref<128xi32, #tpu.memory_space<vmem>>, vector<16xi32>,
    %dma_start3A_83 = arith.constant 0 : i32
    %dma_start3A_84 = arith.constant 0 : i32
    %dma_start3A_85 = tpu.memref_slice %arg9[%dma_start3A_83, %dma_start3A_84] : memref<128x128xf32, #tpu.memory_space<vmem>> -> memref<64x128xf32, #tpu.memory_space<vmem>>
    %dma_start3A_86 = arith.constant 0 : i32
    %dma_start3A_87 = tpu.memref_slice %arg8[%dma_start3A_86] : memref<128xi32, #tpu.memory_space<vmem>> -> memref<64xi32, #tpu.memory_space<vmem>>
    %dma_start3A_88 = arith.constant 0 : i32
    %dma_start3A_89 = arith.constant 0 : i32
    %dma_start3A_90 = tpu.memref_slice %arg2[%dma_start3A_88, %dma_start3A_89] : memref<100000x128xf32, #tpu.memory_space<hbm>> -> memref<100000x128xf32, #tpu.memory_space<hbm>>
    tpu.enqueue_indirect_dma source(%dma_start3A_90 : memref<100000x128xf32, #tpu.memory_space<hbm>>) target(%dma_start3A_85 : memref<64x128xf32, #tpu.memory_space<vmem>>) offsets(%dma_start3A_87 : memref<64xi32, #tpu.memory_space<vmem>>) semaphore(%arg18 : memref<!tpu.dma_semaphore, #tpu.memory_space<semaphore_mem>>)
    %dma_start3A_91 = arith.constant 64 : i32
    %dma_start3A_92 = arith.constant 0 : i32
    %dma_start3A_93 = tpu.memref_slice %arg9[%dma_start3A_91, %dma_start3A_92] : memref<128x128xf32, #tpu.memory_space<vmem>> -> memref<64x128xf32, #tpu.memory_space<vmem>>
    %dma_start3A_94 = arith.constant 64 : i32
    %dma_start3A_95 = tpu.memref_slice %arg8[%dma_start3A_94] : memref<128xi32, #tpu.memory_space<vmem>> -> memref<64xi32, #tpu.memory_space<vmem>>
    %dma_start3A_96 = arith.constant 0 : i32
    %dma_start3A_97 = arith.constant 0 : i32
    %dma_start3A_98 = tpu.memref_slice %arg2[%dma_start3A_96, %dma_start3A_97] : memref<100000x128xf32, #tpu.memory_space<hbm>> -> memref<100000x128xf32, #tpu.memory_space<hbm>>
    tpu.enqueue_indirect_dma source(%dma_start3A_98 : memref<100000x128xf32, #tpu.memory_space<hbm>>) target(%dma_start3A_93 : memref<64x128xf32, #tpu.memory_space<vmem>>) offsets(%dma_start3A_95 : memref<64xi32, #tpu.memory_space<vmem>>) semaphore(%arg19 : memref<!tpu.dma_semaphore, #tpu.memory_space<semaphore_mem>>)
    %dma_start3A_99 = arith.constant 0 : i32
    %dma_start3A_100 = arith.constant 0 : i32
    %dma_start3A_101 = tpu.memref_slice %arg2[%dma_start3A_99, %dma_start3A_100] : memref<100000x128xf32, #tpu.memory_space<hbm>> -> memref<100000x128xf32, #tpu.memory_space<hbm>>
    tpu.enqueue_indirect_dma source(%dma_start3A_101 : memref<100000x128xf32, #tpu.memory_space<hbm>>) target(%arg10 : memref<128x128xf32, #tpu.memory_space<vmem>>) offsets(%arg7 : memref<128xi32, #tpu.memory_space<vmem>>) semaphore(%arg21 : memref<!tpu.dma_semaphore, #tpu.memory_space<semaphore_mem>>)
    %eq3A = arith.constant 0 : i32
    %eq3A_102 = arith.cmpi eq, %arg0, %eq3A : i32
    %convert_element_type3A = arith.extui %eq3A_102 : i1 to i32
    %cond3A = arith.constant 0 : i32
    %cond3A_103 = arith.cmpi ne, %convert_element_type3A, %cond3A : i32
    scf.if %cond3A_103 {
      %scan3A_155 = arith.constant 0 : i32
      %scan3A_156 = arith.constant 0 : i32
      %scan3A_157 = arith.constant 49 : i32
      %scan3A_158 = arith.addi %scan3A_156, %scan3A_157 : i32
      %scan3A_159 = arith.constant 1 : i32
      %scan3A_160 = scf.for %scan3A_247 = %scan3A_156 to %scan3A_158 step %scan3A_159 iter_args(%scan3A_248 = %scan3A_155) -> (i32)  : i32 {
        %broadcast_in_dim3A_249 = arith.constant 0.000000e+00 : f32
        %broadcast_in_dim3A_250 = vector.broadcast %broadcast_in_dim3A_249 : f32 to vector<16xf32>
        %mul3A_251 = arith.constant 16 : i32
        %mul3A_252 = arith.muli %scan3A_247, %mul3A_251 : i32
        %swap3A_253 = arith.index_cast %mul3A_252 : i32 to index
        %swap3A_254 = tpu.vector_load %arg14[%swap3A_253] {strides = array<i32>} : memref<784xf32, #tpu.memory_space<vmem>>, vector<16xf32>,
        %swap3A_255 = vector.shape_cast %swap3A_254 : vector<16xf32> to vector<16xf32>
        %swap3A_256 = vector.shape_cast %broadcast_in_dim3A_250 : vector<16xf32> to vector<16xf32>
        tpu.vector_store %arg14[%swap3A_253], %swap3A_256 {strides = array<i32>} : memref<784xf32, #tpu.memory_space<vmem>>, vector<16xf32>,
        %scan3A_257 = arith.constant 0 : i32
        scf.yield %scan3A_257 : i32
      }
      %scan3A_161 = arith.constant 49 : i32
      %broadcast_in_dim3A_162 = arith.constant 1.000000e+00 : f32
      %broadcast_in_dim3A_163 = vector.broadcast %broadcast_in_dim3A_162 : f32 to vector<16xf32>
      %swap3A_164 = arith.constant 0 : index
      %swap3A_165 = tpu.vector_load %arg17[%swap3A_164] {strides = array<i32>} : memref<128xf32, #tpu.memory_space<vmem>>, vector<16xf32>,
      %swap3A_166 = vector.shape_cast %swap3A_165 : vector<16xf32> to vector<16xf32>
      %swap3A_167 = vector.shape_cast %broadcast_in_dim3A_163 : vector<16xf32> to vector<16xf32>
      tpu.vector_store %arg17[%swap3A_164], %swap3A_167 {strides = array<i32>} : memref<128xf32, #tpu.memory_space<vmem>>, vector<16xf32>,
      %broadcast_in_dim3A_168 = arith.constant 1.000000e+00 : f32
      %broadcast_in_dim3A_169 = vector.broadcast %broadcast_in_dim3A_168 : f32 to vector<16xf32>
      %swap3A_170 = arith.constant 16 : index
      %swap3A_171 = tpu.vector_load %arg17[%swap3A_170] {strides = array<i32>} : memref<128xf32, #tpu.memory_space<vmem>>, vector<16xf32>,
      %swap3A_172 = vector.shape_cast %swap3A_171 : vector<16xf32> to vector<16xf32>
      %swap3A_173 = vector.shape_cast %broadcast_in_dim3A_169 : vector<16xf32> to vector<16xf32>
      tpu.vector_store %arg17[%swap3A_170], %swap3A_173 {strides = array<i32>} : memref<128xf32, #tpu.memory_space<vmem>>, vector<16xf32>,
      %broadcast_in_dim3A_174 = arith.constant 1.000000e+00 : f32
      %broadcast_in_dim3A_175 = vector.broadcast %broadcast_in_dim3A_174 : f32 to vector<16xf32>
      %swap3A_176 = arith.constant 32 : index
      %swap3A_177 = tpu.vector_load %arg17[%swap3A_176] {strides = array<i32>} : memref<128xf32, #tpu.memory_space<vmem>>, vector<16xf32>,
      %swap3A_178 = vector.shape_cast %swap3A_177 : vector<16xf32> to vector<16xf32>
      %swap3A_179 = vector.shape_cast %broadcast_in_dim3A_175 : vector<16xf32> to vector<16xf32>
      tpu.vector_store %arg17[%swap3A_176], %swap3A_179 {strides = array<i32>} : memref<128xf32, #tpu.memory_space<vmem>>, vector<16xf32>,
      %broadcast_in_dim3A_180 = arith.constant 1.000000e+00 : f32
      %broadcast_in_dim3A_181 = vector.broadcast %broadcast_in_dim3A_180 : f32 to vector<16xf32>
      %swap3A_182 = arith.constant 48 : index
      %swap3A_183 = tpu.vector_load %arg17[%swap3A_182] {strides = array<i32>} : memref<128xf32, #tpu.memory_space<vmem>>, vector<16xf32>,
      %swap3A_184 = vector.shape_cast %swap3A_183 : vector<16xf32> to vector<16xf32>
      %swap3A_185 = vector.shape_cast %broadcast_in_dim3A_181 : vector<16xf32> to vector<16xf32>
      tpu.vector_store %arg17[%swap3A_182], %swap3A_185 {strides = array<i32>} : memref<128xf32, #tpu.memory_space<vmem>>, vector<16xf32>,
      %broadcast_in_dim3A_186 = arith.constant 1.000000e+00 : f32
      %broadcast_in_dim3A_187 = vector.broadcast %broadcast_in_dim3A_186 : f32 to vector<16xf32>
      %swap3A_188 = arith.constant 64 : index
      %swap3A_189 = tpu.vector_load %arg17[%swap3A_188] {strides = array<i32>} : memref<128xf32, #tpu.memory_space<vmem>>, vector<16xf32>,
      %swap3A_190 = vector.shape_cast %swap3A_189 : vector<16xf32> to vector<16xf32>
      %swap3A_191 = vector.shape_cast %broadcast_in_dim3A_187 : vector<16xf32> to vector<16xf32>
      tpu.vector_store %arg17[%swap3A_188], %swap3A_191 {strides = array<i32>} : memref<128xf32, #tpu.memory_space<vmem>>, vector<16xf32>,
      %broadcast_in_dim3A_192 = arith.constant 1.000000e+00 : f32
      %broadcast_in_dim3A_193 = vector.broadcast %broadcast_in_dim3A_192 : f32 to vector<16xf32>
      %swap3A_194 = arith.constant 80 : index
      %swap3A_195 = tpu.vector_load %arg17[%swap3A_194] {strides = array<i32>} : memref<128xf32, #tpu.memory_space<vmem>>, vector<16xf32>,
      %swap3A_196 = vector.shape_cast %swap3A_195 : vector<16xf32> to vector<16xf32>
      %swap3A_197 = vector.shape_cast %broadcast_in_dim3A_193 : vector<16xf32> to vector<16xf32>
      tpu.vector_store %arg17[%swap3A_194], %swap3A_197 {strides = array<i32>} : memref<128xf32, #tpu.memory_space<vmem>>, vector<16xf32>,
      %broadcast_in_dim3A_198 = arith.constant 1.000000e+00 : f32
      %broadcast_in_dim3A_199 = vector.broadcast %broadcast_in_dim3A_198 : f32 to vector<16xf32>
      %swap3A_200 = arith.constant 96 : index
      %swap3A_201 = tpu.vector_load %arg17[%swap3A_200] {strides = array<i32>} : memref<128xf32, #tpu.memory_space<vmem>>, vector<16xf32>,
      %swap3A_202 = vector.shape_cast %swap3A_201 : vector<16xf32> to vector<16xf32>
      %swap3A_203 = vector.shape_cast %broadcast_in_dim3A_199 : vector<16xf32> to vector<16xf32>
      tpu.vector_store %arg17[%swap3A_200], %swap3A_203 {strides = array<i32>} : memref<128xf32, #tpu.memory_space<vmem>>, vector<16xf32>,
      %broadcast_in_dim3A_204 = arith.constant 1.000000e+00 : f32
      %broadcast_in_dim3A_205 = vector.broadcast %broadcast_in_dim3A_204 : f32 to vector<16xf32>
      %swap3A_206 = arith.constant 112 : index
      %swap3A_207 = tpu.vector_load %arg17[%swap3A_206] {strides = array<i32>} : memref<128xf32, #tpu.memory_space<vmem>>, vector<16xf32>,
      %swap3A_208 = vector.shape_cast %swap3A_207 : vector<16xf32> to vector<16xf32>
      %swap3A_209 = vector.shape_cast %broadcast_in_dim3A_205 : vector<16xf32> to vector<16xf32>
      tpu.vector_store %arg17[%swap3A_206], %swap3A_209 {strides = array<i32>} : memref<128xf32, #tpu.memory_space<vmem>>, vector<16xf32>,
      %mul3A_210 = arith.constant 2 : i32
      %mul3A_211 = arith.muli %mul3A_210, %arg1 : i32
      %add3A_212 = arith.constant 1 : i32
      %add3A_213 = arith.addi %mul3A_211, %add3A_212 : i32
      "tpu.region"() ({
        %run_scoped3A = tpu.sem_alloc : memref<!tpu.dma_semaphore, #tpu.memory_space<semaphore_mem>>
        %dma_start3A_247 = arith.constant 0 : i32
        %dma_start3A_248 = tpu.memref_slice %arg3[%add3A_213, %dma_start3A_247] : memref<32x128xi32, #tpu.memory_space<hbm>> -> memref<1x128xi32, #tpu.memory_space<hbm>>
        %dma_start3A_249 = tpu.memref_squeeze %dma_start3A_248 : memref<1x128xi32, #tpu.memory_space<hbm>> -> memref<128xi32, #tpu.memory_space<hbm>>
        %dma_start3A_250 = arith.constant 0 : i32
        %dma_start3A_251 = tpu.memref_slice %arg3[%add3A_213, %dma_start3A_250] : memref<32x128xi32, #tpu.memory_space<hbm>> -> memref<1x128xi32, #tpu.memory_space<hbm>>
        %dma_start3A_252 = tpu.memref_squeeze %dma_start3A_251 : memref<1x128xi32, #tpu.memory_space<hbm>> -> memref<128xi32, #tpu.memory_space<hbm>>
        tpu.enqueue_dma source(%dma_start3A_252 : memref<128xi32, #tpu.memory_space<hbm>>) target(%arg15 : memref<128xi32, #tpu.memory_space<vmem>>) target_semaphore(%run_scoped3A : memref<!tpu.dma_semaphore, #tpu.memory_space<semaphore_mem>>)
        %dma_wait3A_253 = arith.constant 0 : i32
        %dma_wait3A_254 = tpu.memref_slice %arg3[%add3A_213, %dma_wait3A_253] : memref<32x128xi32, #tpu.memory_space<hbm>> -> memref<1x128xi32, #tpu.memory_space<hbm>>
        %dma_wait3A_255 = tpu.memref_squeeze %dma_wait3A_254 : memref<1x128xi32, #tpu.memory_space<hbm>> -> memref<128xi32, #tpu.memory_space<hbm>>
        %dma_wait3A_256 = arith.constant 0 : i32
        %dma_wait3A_257 = tpu.memref_slice %arg3[%add3A_213, %dma_wait3A_256] : memref<32x128xi32, #tpu.memory_space<hbm>> -> memref<1x128xi32, #tpu.memory_space<hbm>>
        %dma_wait3A_258 = tpu.memref_squeeze %dma_wait3A_257 : memref<1x128xi32, #tpu.memory_space<hbm>> -> memref<128xi32, #tpu.memory_space<hbm>>
        tpu.wait_dma2 semaphore(%run_scoped3A : memref<!tpu.dma_semaphore, #tpu.memory_space<semaphore_mem>>) src(%dma_wait3A_258 : memref<128xi32, #tpu.memory_space<hbm>>) dst(%arg15 : memref<128xi32, #tpu.memory_space<vmem>>)
        tpu.yield
      }) : () -> ()
      %mul3A_214 = arith.constant 6272 : i32
      %mul3A_215 = arith.muli %arg1, %mul3A_214 : i32
      %add3A_216 = arith.constant 0 : i32
      %add3A_217 = arith.addi %mul3A_215, %add3A_216 : i32
      "tpu.region"() ({
        %run_scoped3A = tpu.sem_alloc : memref<!tpu.dma_semaphore, #tpu.memory_space<semaphore_mem>>
        %dma_start3A_247 = tpu.memref_slice %arg13[%add3A_217] : memref<100352xf32, #tpu.memory_space<vmem_shared>> -> memref<784xf32, #tpu.memory_space<vmem_shared>>
        %dma_start3A_248 = tpu.memref_slice %arg13[%add3A_217] : memref<100352xf32, #tpu.memory_space<vmem_shared>> -> memref<784xf32, #tpu.memory_space<vmem_shared>>
        tpu.enqueue_dma source(%arg14 : memref<784xf32, #tpu.memory_space<vmem>>) target(%dma_start3A_248 : memref<784xf32, #tpu.memory_space<vmem_shared>>) target_semaphore(%run_scoped3A : memref<!tpu.dma_semaphore, #tpu.memory_space<semaphore_mem>>)
        %dma_wait3A_249 = tpu.memref_slice %arg13[%add3A_217] : memref<100352xf32, #tpu.memory_space<vmem_shared>> -> memref<784xf32, #tpu.memory_space<vmem_shared>>
        %dma_wait3A_250 = tpu.memref_slice %arg13[%add3A_217] : memref<100352xf32, #tpu.memory_space<vmem_shared>> -> memref<784xf32, #tpu.memory_space<vmem_shared>>
        tpu.wait_dma2 semaphore(%run_scoped3A : memref<!tpu.dma_semaphore, #tpu.memory_space<semaphore_mem>>) src(%arg14 : memref<784xf32, #tpu.memory_space<vmem>>) dst(%dma_wait3A_250 : memref<784xf32, #tpu.memory_space<vmem_shared>>)
        tpu.yield
      }) : () -> ()
      %mul3A_218 = arith.constant 6272 : i32
      %mul3A_219 = arith.muli %arg1, %mul3A_218 : i32
      %add3A_220 = arith.constant 784 : i32
      %add3A_221 = arith.addi %mul3A_219, %add3A_220 : i32
      "tpu.region"() ({
        %run_scoped3A = tpu.sem_alloc : memref<!tpu.dma_semaphore, #tpu.memory_space<semaphore_mem>>
        %dma_start3A_247 = tpu.memref_slice %arg13[%add3A_221] : memref<100352xf32, #tpu.memory_space<vmem_shared>> -> memref<784xf32, #tpu.memory_space<vmem_shared>>
        %dma_start3A_248 = tpu.memref_slice %arg13[%add3A_221] : memref<100352xf32, #tpu.memory_space<vmem_shared>> -> memref<784xf32, #tpu.memory_space<vmem_shared>>
        tpu.enqueue_dma source(%arg14 : memref<784xf32, #tpu.memory_space<vmem>>) target(%dma_start3A_248 : memref<784xf32, #tpu.memory_space<vmem_shared>>) target_semaphore(%run_scoped3A : memref<!tpu.dma_semaphore, #tpu.memory_space<semaphore_mem>>)
        %dma_wait3A_249 = tpu.memref_slice %arg13[%add3A_221] : memref<100352xf32, #tpu.memory_space<vmem_shared>> -> memref<784xf32, #tpu.memory_space<vmem_shared>>
        %dma_wait3A_250 = tpu.memref_slice %arg13[%add3A_221] : memref<100352xf32, #tpu.memory_space<vmem_shared>> -> memref<784xf32, #tpu.memory_space<vmem_shared>>
        tpu.wait_dma2 semaphore(%run_scoped3A : memref<!tpu.dma_semaphore, #tpu.memory_space<semaphore_mem>>) src(%arg14 : memref<784xf32, #tpu.memory_space<vmem>>) dst(%dma_wait3A_250 : memref<784xf32, #tpu.memory_space<vmem_shared>>)
        tpu.yield
      }) : () -> ()
      %mul3A_222 = arith.constant 6272 : i32
      %mul3A_223 = arith.muli %arg1, %mul3A_222 : i32
      %add3A_224 = arith.constant 1568 : i32
      %add3A_225 = arith.addi %mul3A_223, %add3A_224 : i32
      "tpu.region"() ({
        %run_scoped3A = tpu.sem_alloc : memref<!tpu.dma_semaphore, #tpu.memory_space<semaphore_mem>>
        %dma_start3A_247 = tpu.memref_slice %arg13[%add3A_225] : memref<100352xf32, #tpu.memory_space<vmem_shared>> -> memref<784xf32, #tpu.memory_space<vmem_shared>>
        %dma_start3A_248 = tpu.memref_slice %arg13[%add3A_225] : memref<100352xf32, #tpu.memory_space<vmem_shared>> -> memref<784xf32, #tpu.memory_space<vmem_shared>>
        tpu.enqueue_dma source(%arg14 : memref<784xf32, #tpu.memory_space<vmem>>) target(%dma_start3A_248 : memref<784xf32, #tpu.memory_space<vmem_shared>>) target_semaphore(%run_scoped3A : memref<!tpu.dma_semaphore, #tpu.memory_space<semaphore_mem>>)
        %dma_wait3A_249 = tpu.memref_slice %arg13[%add3A_225] : memref<100352xf32, #tpu.memory_space<vmem_shared>> -> memref<784xf32, #tpu.memory_space<vmem_shared>>
        %dma_wait3A_250 = tpu.memref_slice %arg13[%add3A_225] : memref<100352xf32, #tpu.memory_space<vmem_shared>> -> memref<784xf32, #tpu.memory_space<vmem_shared>>
        tpu.wait_dma2 semaphore(%run_scoped3A : memref<!tpu.dma_semaphore, #tpu.memory_space<semaphore_mem>>) src(%arg14 : memref<784xf32, #tpu.memory_space<vmem>>) dst(%dma_wait3A_250 : memref<784xf32, #tpu.memory_space<vmem_shared>>)
        tpu.yield
      }) : () -> ()
      %mul3A_226 = arith.constant 6272 : i32
      %mul3A_227 = arith.muli %arg1, %mul3A_226 : i32
      %add3A_228 = arith.constant 2352 : i32
      %add3A_229 = arith.addi %mul3A_227, %add3A_228 : i32
      "tpu.region"() ({
        %run_scoped3A = tpu.sem_alloc : memref<!tpu.dma_semaphore, #tpu.memory_space<semaphore_mem>>
        %dma_start3A_247 = tpu.memref_slice %arg13[%add3A_229] : memref<100352xf32, #tpu.memory_space<vmem_shared>> -> memref<784xf32, #tpu.memory_space<vmem_shared>>
        %dma_start3A_248 = tpu.memref_slice %arg13[%add3A_229] : memref<100352xf32, #tpu.memory_space<vmem_shared>> -> memref<784xf32, #tpu.memory_space<vmem_shared>>
        tpu.enqueue_dma source(%arg14 : memref<784xf32, #tpu.memory_space<vmem>>) target(%dma_start3A_248 : memref<784xf32, #tpu.memory_space<vmem_shared>>) target_semaphore(%run_scoped3A : memref<!tpu.dma_semaphore, #tpu.memory_space<semaphore_mem>>)
        %dma_wait3A_249 = tpu.memref_slice %arg13[%add3A_229] : memref<100352xf32, #tpu.memory_space<vmem_shared>> -> memref<784xf32, #tpu.memory_space<vmem_shared>>
        %dma_wait3A_250 = tpu.memref_slice %arg13[%add3A_229] : memref<100352xf32, #tpu.memory_space<vmem_shared>> -> memref<784xf32, #tpu.memory_space<vmem_shared>>
        tpu.wait_dma2 semaphore(%run_scoped3A : memref<!tpu.dma_semaphore, #tpu.memory_space<semaphore_mem>>) src(%arg14 : memref<784xf32, #tpu.memory_space<vmem>>) dst(%dma_wait3A_250 : memref<784xf32, #tpu.memory_space<vmem_shared>>)
        tpu.yield
      }) : () -> ()
      %mul3A_230 = arith.constant 6272 : i32
      %mul3A_231 = arith.muli %arg1, %mul3A_230 : i32
      %add3A_232 = arith.constant 3136 : i32
      %add3A_233 = arith.addi %mul3A_231, %add3A_232 : i32
      "tpu.region"() ({
        %run_scoped3A = tpu.sem_alloc : memref<!tpu.dma_semaphore, #tpu.memory_space<semaphore_mem>>
        %dma_start3A_247 = tpu.memref_slice %arg13[%add3A_233] : memref<100352xf32, #tpu.memory_space<vmem_shared>> -> memref<784xf32, #tpu.memory_space<vmem_shared>>
        %dma_start3A_248 = tpu.memref_slice %arg13[%add3A_233] : memref<100352xf32, #tpu.memory_space<vmem_shared>> -> memref<784xf32, #tpu.memory_space<vmem_shared>>
        tpu.enqueue_dma source(%arg14 : memref<784xf32, #tpu.memory_space<vmem>>) target(%dma_start3A_248 : memref<784xf32, #tpu.memory_space<vmem_shared>>) target_semaphore(%run_scoped3A : memref<!tpu.dma_semaphore, #tpu.memory_space<semaphore_mem>>)
        %dma_wait3A_249 = tpu.memref_slice %arg13[%add3A_233] : memref<100352xf32, #tpu.memory_space<vmem_shared>> -> memref<784xf32, #tpu.memory_space<vmem_shared>>
        %dma_wait3A_250 = tpu.memref_slice %arg13[%add3A_233] : memref<100352xf32, #tpu.memory_space<vmem_shared>> -> memref<784xf32, #tpu.memory_space<vmem_shared>>
        tpu.wait_dma2 semaphore(%run_scoped3A : memref<!tpu.dma_semaphore, #tpu.memory_space<semaphore_mem>>) src(%arg14 : memref<784xf32, #tpu.memory_space<vmem>>) dst(%dma_wait3A_250 : memref<784xf32, #tpu.memory_space<vmem_shared>>)
        tpu.yield
      }) : () -> ()
      %mul3A_234 = arith.constant 6272 : i32
      %mul3A_235 = arith.muli %arg1, %mul3A_234 : i32
      %add3A_236 = arith.constant 3920 : i32
      %add3A_237 = arith.addi %mul3A_235, %add3A_236 : i32
      "tpu.region"() ({
        %run_scoped3A = tpu.sem_alloc : memref<!tpu.dma_semaphore, #tpu.memory_space<semaphore_mem>>
        %dma_start3A_247 = tpu.memref_slice %arg13[%add3A_237] : memref<100352xf32, #tpu.memory_space<vmem_shared>> -> memref<784xf32, #tpu.memory_space<vmem_shared>>
        %dma_start3A_248 = tpu.memref_slice %arg13[%add3A_237] : memref<100352xf32, #tpu.memory_space<vmem_shared>> -> memref<784xf32, #tpu.memory_space<vmem_shared>>
        tpu.enqueue_dma source(%arg14 : memref<784xf32, #tpu.memory_space<vmem>>) target(%dma_start3A_248 : memref<784xf32, #tpu.memory_space<vmem_shared>>) target_semaphore(%run_scoped3A : memref<!tpu.dma_semaphore, #tpu.memory_space<semaphore_mem>>)
        %dma_wait3A_249 = tpu.memref_slice %arg13[%add3A_237] : memref<100352xf32, #tpu.memory_space<vmem_shared>> -> memref<784xf32, #tpu.memory_space<vmem_shared>>
        %dma_wait3A_250 = tpu.memref_slice %arg13[%add3A_237] : memref<100352xf32, #tpu.memory_space<vmem_shared>> -> memref<784xf32, #tpu.memory_space<vmem_shared>>
        tpu.wait_dma2 semaphore(%run_scoped3A : memref<!tpu.dma_semaphore, #tpu.memory_space<semaphore_mem>>) src(%arg14 : memref<784xf32, #tpu.memory_space<vmem>>) dst(%dma_wait3A_250 : memref<784xf32, #tpu.memory_space<vmem_shared>>)
        tpu.yield
      }) : () -> ()
      %mul3A_238 = arith.constant 6272 : i32
      %mul3A_239 = arith.muli %arg1, %mul3A_238 : i32
      %add3A_240 = arith.constant 4704 : i32
      %add3A_241 = arith.addi %mul3A_239, %add3A_240 : i32
      "tpu.region"() ({
        %run_scoped3A = tpu.sem_alloc : memref<!tpu.dma_semaphore, #tpu.memory_space<semaphore_mem>>
        %dma_start3A_247 = tpu.memref_slice %arg13[%add3A_241] : memref<100352xf32, #tpu.memory_space<vmem_shared>> -> memref<784xf32, #tpu.memory_space<vmem_shared>>
        %dma_start3A_248 = tpu.memref_slice %arg13[%add3A_241] : memref<100352xf32, #tpu.memory_space<vmem_shared>> -> memref<784xf32, #tpu.memory_space<vmem_shared>>
        tpu.enqueue_dma source(%arg14 : memref<784xf32, #tpu.memory_space<vmem>>) target(%dma_start3A_248 : memref<784xf32, #tpu.memory_space<vmem_shared>>) target_semaphore(%run_scoped3A : memref<!tpu.dma_semaphore, #tpu.memory_space<semaphore_mem>>)
        %dma_wait3A_249 = tpu.memref_slice %arg13[%add3A_241] : memref<100352xf32, #tpu.memory_space<vmem_shared>> -> memref<784xf32, #tpu.memory_space<vmem_shared>>
        %dma_wait3A_250 = tpu.memref_slice %arg13[%add3A_241] : memref<100352xf32, #tpu.memory_space<vmem_shared>> -> memref<784xf32, #tpu.memory_space<vmem_shared>>
        tpu.wait_dma2 semaphore(%run_scoped3A : memref<!tpu.dma_semaphore, #tpu.memory_space<semaphore_mem>>) src(%arg14 : memref<784xf32, #tpu.memory_space<vmem>>) dst(%dma_wait3A_250 : memref<784xf32, #tpu.memory_space<vmem_shared>>)
        tpu.yield
      }) : () -> ()
      %mul3A_242 = arith.constant 6272 : i32
      %mul3A_243 = arith.muli %arg1, %mul3A_242 : i32
      %add3A_244 = arith.constant 5488 : i32
      %add3A_245 = arith.addi %mul3A_243, %add3A_244 : i32
      "tpu.region"() ({
        %run_scoped3A = tpu.sem_alloc : memref<!tpu.dma_semaphore, #tpu.memory_space<semaphore_mem>>
        %dma_start3A_247 = tpu.memref_slice %arg13[%add3A_245] : memref<100352xf32, #tpu.memory_space<vmem_shared>> -> memref<784xf32, #tpu.memory_space<vmem_shared>>
        %dma_start3A_248 = tpu.memref_slice %arg13[%add3A_245] : memref<100352xf32, #tpu.memory_space<vmem_shared>> -> memref<784xf32, #tpu.memory_space<vmem_shared>>
        tpu.enqueue_dma source(%arg14 : memref<784xf32, #tpu.memory_space<vmem>>) target(%dma_start3A_248 : memref<784xf32, #tpu.memory_space<vmem_shared>>) target_semaphore(%run_scoped3A : memref<!tpu.dma_semaphore, #tpu.memory_space<semaphore_mem>>)
        %dma_wait3A_249 = tpu.memref_slice %arg13[%add3A_245] : memref<100352xf32, #tpu.memory_space<vmem_shared>> -> memref<784xf32, #tpu.memory_space<vmem_shared>>
        %dma_wait3A_250 = tpu.memref_slice %arg13[%add3A_245] : memref<100352xf32, #tpu.memory_space<vmem_shared>> -> memref<784xf32, #tpu.memory_space<vmem_shared>>
        tpu.wait_dma2 semaphore(%run_scoped3A : memref<!tpu.dma_semaphore, #tpu.memory_space<semaphore_mem>>) src(%arg14 : memref<784xf32, #tpu.memory_space<vmem>>) dst(%dma_wait3A_250 : memref<784xf32, #tpu.memory_space<vmem_shared>>)
        tpu.yield
      }) : () -> ()
      %barrier3A = arith.constant 0 : index
      tpu.barrier barrier_id(%barrier3A)
      "tpu.region"() ({
        %run_scoped3A = tpu.sem_alloc : memref<!tpu.dma_semaphore, #tpu.memory_space<semaphore_mem>>
        %dma_start3A_247 = arith.constant 0 : i32
        %dma_start3A_248 = tpu.memref_slice %arg13[%dma_start3A_247] : memref<100352xf32, #tpu.memory_space<vmem_shared>> -> memref<100352xf32, #tpu.memory_space<vmem_shared>>
        tpu.enqueue_indirect_dma source(%arg17 : memref<128xf32, #tpu.memory_space<vmem>>) target(%dma_start3A_248 : memref<100352xf32, #tpu.memory_space<vmem_shared>>) offsets(%arg7 : memref<128xi32, #tpu.memory_space<vmem>>) semaphore(%run_scoped3A : memref<!tpu.dma_semaphore, #tpu.memory_space<semaphore_mem>>) {add = true}
        %dma_wait3A_249 = arith.constant 0 : i32
        %dma_wait3A_250 = tpu.memref_slice %arg13[%dma_wait3A_249] : memref<100352xf32, #tpu.memory_space<vmem_shared>> -> memref<100352xf32, #tpu.memory_space<vmem_shared>>
        tpu.wait_indirect_dma semaphore(%run_scoped3A : memref<!tpu.dma_semaphore, #tpu.memory_space<semaphore_mem>>) src(%arg17 : memref<128xf32, #tpu.memory_space<vmem>>) dst(%dma_wait3A_250 : memref<100352xf32, #tpu.memory_space<vmem_shared>>)
        tpu.yield
      }) : () -> ()
      "tpu.region"() ({
        %run_scoped3A = tpu.sem_alloc : memref<!tpu.dma_semaphore, #tpu.memory_space<semaphore_mem>>
        %dma_start3A_247 = arith.constant 0 : i32
        %dma_start3A_248 = tpu.memref_slice %arg13[%dma_start3A_247] : memref<100352xf32, #tpu.memory_space<vmem_shared>> -> memref<100352xf32, #tpu.memory_space<vmem_shared>>
        tpu.enqueue_indirect_dma source(%arg17 : memref<128xf32, #tpu.memory_space<vmem>>) target(%dma_start3A_248 : memref<100352xf32, #tpu.memory_space<vmem_shared>>) offsets(%arg15 : memref<128xi32, #tpu.memory_space<vmem>>) semaphore(%run_scoped3A : memref<!tpu.dma_semaphore, #tpu.memory_space<semaphore_mem>>) {add = true}
        %dma_wait3A_249 = arith.constant 0 : i32
        %dma_wait3A_250 = tpu.memref_slice %arg13[%dma_wait3A_249] : memref<100352xf32, #tpu.memory_space<vmem_shared>> -> memref<100352xf32, #tpu.memory_space<vmem_shared>>
        tpu.wait_indirect_dma semaphore(%run_scoped3A : memref<!tpu.dma_semaphore, #tpu.memory_space<semaphore_mem>>) src(%arg17 : memref<128xf32, #tpu.memory_space<vmem>>) dst(%dma_wait3A_250 : memref<100352xf32, #tpu.memory_space<vmem_shared>>)
        tpu.yield
      }) : () -> ()
      %barrier3A_246 = arith.constant 0 : index
      tpu.barrier barrier_id(%barrier3A_246)
    } else {
    }
    %dma_wait3A = arith.constant 0 : i32
    %dma_wait3A_104 = arith.constant 0 : i32
    %dma_wait3A_105 = tpu.memref_slice %arg2[%dma_wait3A, %dma_wait3A_104] : memref<100000x128xf32, #tpu.memory_space<hbm>> -> memref<100000x128xf32, #tpu.memory_space<hbm>>
    tpu.wait_indirect_dma semaphore(%arg21 : memref<!tpu.dma_semaphore, #tpu.memory_space<semaphore_mem>>) src(%dma_wait3A_105 : memref<100000x128xf32, #tpu.memory_space<hbm>>) dst(%arg10 : memref<128x128xf32, #tpu.memory_space<vmem>>)
    %dma_start3A_106 = arith.constant 0 : i32
    %dma_start3A_107 = tpu.memref_slice %arg5[%mul3A_2, %dma_start3A_106] : memref<4096x128xf32, #tpu.memory_space<hbm>> -> memref<128x128xf32, #tpu.memory_space<hbm>>
    %dma_start3A_108 = arith.constant 0 : i32
    %dma_start3A_109 = tpu.memref_slice %arg5[%mul3A_2, %dma_start3A_108] : memref<4096x128xf32, #tpu.memory_space<hbm>> -> memref<128x128xf32, #tpu.memory_space<hbm>>
    tpu.enqueue_dma source(%arg10 : memref<128x128xf32, #tpu.memory_space<vmem>>) target(%dma_start3A_109 : memref<128x128xf32, #tpu.memory_space<hbm>>) target_semaphore(%arg22 : memref<!tpu.dma_semaphore, #tpu.memory_space<semaphore_mem>>)
    %dma_wait3A_110 = arith.constant 0 : i32
    %dma_wait3A_111 = tpu.memref_slice %arg4[%mul3A_2, %dma_wait3A_110] : memref<4096x128xf32, #tpu.memory_space<hbm>> -> memref<128x128xf32, #tpu.memory_space<hbm>>
    %dma_wait3A_112 = arith.constant 0 : i32
    %dma_wait3A_113 = tpu.memref_slice %arg4[%mul3A_2, %dma_wait3A_112] : memref<4096x128xf32, #tpu.memory_space<hbm>> -> memref<128x128xf32, #tpu.memory_space<hbm>>
    tpu.wait_dma2 semaphore(%arg20 : memref<!tpu.dma_semaphore, #tpu.memory_space<semaphore_mem>>) src(%dma_wait3A_113 : memref<128x128xf32, #tpu.memory_space<hbm>>) dst(%arg11 : memref<128x128xf32, #tpu.memory_space<vmem>>)
    %dma_wait3A_114 = arith.constant 0 : i32
    %dma_wait3A_115 = arith.constant 0 : i32
    %dma_wait3A_116 = tpu.memref_slice %arg9[%dma_wait3A_114, %dma_wait3A_115] : memref<128x128xf32, #tpu.memory_space<vmem>> -> memref<64x128xf32, #tpu.memory_space<vmem>>
    %dma_wait3A_117 = arith.constant 0 : i32
    %dma_wait3A_118 = tpu.memref_slice %arg8[%dma_wait3A_117] : memref<128xi32, #tpu.memory_space<vmem>> -> memref<64xi32, #tpu.memory_space<vmem>>
    %dma_wait3A_119 = arith.constant 0 : i32
    %dma_wait3A_120 = arith.constant 0 : i32
    %dma_wait3A_121 = tpu.memref_slice %arg2[%dma_wait3A_119, %dma_wait3A_120] : memref<100000x128xf32, #tpu.memory_space<hbm>> -> memref<100000x128xf32, #tpu.memory_space<hbm>>
    tpu.wait_indirect_dma semaphore(%arg18 : memref<!tpu.dma_semaphore, #tpu.memory_space<semaphore_mem>>) src(%dma_wait3A_121 : memref<100000x128xf32, #tpu.memory_space<hbm>>) dst(%dma_wait3A_116 : memref<64x128xf32, #tpu.memory_space<vmem>>)
    %broadcast_in_dim3A = arith.constant 0.000000e+00 : f32
    %broadcast_in_dim3A_122 = vector.broadcast %broadcast_in_dim3A : f32 to vector<16xf32>
    %scan3A = arith.constant 0 : i32
    %scan3A_123 = arith.constant 32 : i32
    %scan3A_124 = arith.addi %scan3A, %scan3A_123 : i32
    %scan3A_125 = arith.constant 1 : i32
    %scan3A_126 = scf.for %scan3A_155 = %scan3A to %scan3A_124 step %scan3A_125 iter_args(%scan3A_156 = %broadcast_in_dim3A_122) -> (vector<16xf32>)  : i32 {
      %mul3A_157 = arith.constant 2 : i32
      %mul3A_158 = arith.muli %mul3A_157, %scan3A_155 : i32
      %add3A_159 = arith.constant 0 : i32
      %add3A_160 = arith.addi %add3A_159, %mul3A_158 : i32
      %add3A_161 = arith.constant 0 : i32
      %add3A_162 = arith.addi %add3A_160, %add3A_161 : i32
      %get3A_163 = arith.index_cast %add3A_162 : i32 to index
      %get3A_164 = arith.constant 0 : index
      %get3A_165 = tpu.vector_load %arg11[%get3A_163, %get3A_164] {strides = array<i32>} : memref<128x128xf32, #tpu.memory_space<vmem>>, vector<1x16xf32>,
      %get3A_166 = vector.shape_cast %get3A_165 : vector<1x16xf32> to vector<16xf32>
      %add3A_167 = arith.constant 0 : i32
      %add3A_168 = arith.addi %add3A_160, %add3A_167 : i32
      %get3A_169 = arith.index_cast %add3A_168 : i32 to index
      %get3A_170 = arith.constant 0 : index
      %get3A_171 = tpu.vector_load %arg9[%get3A_169, %get3A_170] {strides = array<i32>} : memref<128x128xf32, #tpu.memory_space<vmem>>, vector<1x16xf32>,
      %get3A_172 = vector.shape_cast %get3A_171 : vector<1x16xf32> to vector<16xf32>
      %sub3A_173 = arith.subf %get3A_166, %get3A_172 : vector<16xf32>
      %mul3A_174 = arith.mulf %sub3A_173, %sub3A_173 : vector<16xf32>
      %add3A_175 = arith.addf %scan3A_156, %mul3A_174 : vector<16xf32>
      %add3A_176 = arith.constant 0 : i32
      %add3A_177 = arith.addi %add3A_160, %add3A_176 : i32
      %get3A_178 = arith.index_cast %add3A_177 : i32 to index
      %get3A_179 = arith.constant 16 : index
      %get3A_180 = tpu.vector_load %arg11[%get3A_178, %get3A_179] {strides = array<i32>} : memref<128x128xf32, #tpu.memory_space<vmem>>, vector<1x16xf32>,
      %get3A_181 = vector.shape_cast %get3A_180 : vector<1x16xf32> to vector<16xf32>
      %add3A_182 = arith.constant 0 : i32
      %add3A_183 = arith.addi %add3A_160, %add3A_182 : i32
      %get3A_184 = arith.index_cast %add3A_183 : i32 to index
      %get3A_185 = arith.constant 16 : index
      %get3A_186 = tpu.vector_load %arg9[%get3A_184, %get3A_185] {strides = array<i32>} : memref<128x128xf32, #tpu.memory_space<vmem>>, vector<1x16xf32>,
      %get3A_187 = vector.shape_cast %get3A_186 : vector<1x16xf32> to vector<16xf32>
      %sub3A_188 = arith.subf %get3A_181, %get3A_187 : vector<16xf32>
      %mul3A_189 = arith.mulf %sub3A_188, %sub3A_188 : vector<16xf32>
      %add3A_190 = arith.addf %add3A_175, %mul3A_189 : vector<16xf32>
      %add3A_191 = arith.constant 0 : i32
      %add3A_192 = arith.addi %add3A_160, %add3A_191 : i32
      %get3A_193 = arith.index_cast %add3A_192 : i32 to index
      %get3A_194 = arith.constant 32 : index
      %get3A_195 = tpu.vector_load %arg11[%get3A_193, %get3A_194] {strides = array<i32>} : memref<128x128xf32, #tpu.memory_space<vmem>>, vector<1x16xf32>,
      %get3A_196 = vector.shape_cast %get3A_195 : vector<1x16xf32> to vector<16xf32>
      %add3A_197 = arith.constant 0 : i32
      %add3A_198 = arith.addi %add3A_160, %add3A_197 : i32
      %get3A_199 = arith.index_cast %add3A_198 : i32 to index
      %get3A_200 = arith.constant 32 : index
      %get3A_201 = tpu.vector_load %arg9[%get3A_199, %get3A_200] {strides = array<i32>} : memref<128x128xf32, #tpu.memory_space<vmem>>, vector<1x16xf32>,
      %get3A_202 = vector.shape_cast %get3A_201 : vector<1x16xf32> to vector<16xf32>
      %sub3A_203 = arith.subf %get3A_196, %get3A_202 : vector<16xf32>
      %mul3A_204 = arith.mulf %sub3A_203, %sub3A_203 : vector<16xf32>
      %add3A_205 = arith.addf %add3A_190, %mul3A_204 : vector<16xf32>
      %add3A_206 = arith.constant 0 : i32
      %add3A_207 = arith.addi %add3A_160, %add3A_206 : i32
      %get3A_208 = arith.index_cast %add3A_207 : i32 to index
      %get3A_209 = arith.constant 48 : index
      %get3A_210 = tpu.vector_load %arg11[%get3A_208, %get3A_209] {strides = array<i32>} : memref<128x128xf32, #tpu.memory_space<vmem>>, vector<1x16xf32>,
      %get3A_211 = vector.shape_cast %get3A_210 : vector<1x16xf32> to vector<16xf32>
      %add3A_212 = arith.constant 0 : i32
      %add3A_213 = arith.addi %add3A_160, %add3A_212 : i32
      %get3A_214 = arith.index_cast %add3A_213 : i32 to index
      %get3A_215 = arith.constant 48 : index
      %get3A_216 = tpu.vector_load %arg9[%get3A_214, %get3A_215] {strides = array<i32>} : memref<128x128xf32, #tpu.memory_space<vmem>>, vector<1x16xf32>,
      %get3A_217 = vector.shape_cast %get3A_216 : vector<1x16xf32> to vector<16xf32>
      %sub3A_218 = arith.subf %get3A_211, %get3A_217 : vector<16xf32>
      %mul3A_219 = arith.mulf %sub3A_218, %sub3A_218 : vector<16xf32>
      %add3A_220 = arith.addf %add3A_205, %mul3A_219 : vector<16xf32>
      %add3A_221 = arith.constant 0 : i32
      %add3A_222 = arith.addi %add3A_160, %add3A_221 : i32
      %get3A_223 = arith.index_cast %add3A_222 : i32 to index
      %get3A_224 = arith.constant 64 : index
      %get3A_225 = tpu.vector_load %arg11[%get3A_223, %get3A_224] {strides = array<i32>} : memref<128x128xf32, #tpu.memory_space<vmem>>, vector<1x16xf32>,
      %get3A_226 = vector.shape_cast %get3A_225 : vector<1x16xf32> to vector<16xf32>
      %add3A_227 = arith.constant 0 : i32
      %add3A_228 = arith.addi %add3A_160, %add3A_227 : i32
      %get3A_229 = arith.index_cast %add3A_228 : i32 to index
      %get3A_230 = arith.constant 64 : index
      %get3A_231 = tpu.vector_load %arg9[%get3A_229, %get3A_230] {strides = array<i32>} : memref<128x128xf32, #tpu.memory_space<vmem>>, vector<1x16xf32>,
      %get3A_232 = vector.shape_cast %get3A_231 : vector<1x16xf32> to vector<16xf32>
      %sub3A_233 = arith.subf %get3A_226, %get3A_232 : vector<16xf32>
      %mul3A_234 = arith.mulf %sub3A_233, %sub3A_233 : vector<16xf32>
      %add3A_235 = arith.addf %add3A_220, %mul3A_234 : vector<16xf32>
      %add3A_236 = arith.constant 0 : i32
      %add3A_237 = arith.addi %add3A_160, %add3A_236 : i32
      %get3A_238 = arith.index_cast %add3A_237 : i32 to index
      %get3A_239 = arith.constant 80 : index
      %get3A_240 = tpu.vector_load %arg11[%get3A_238, %get3A_239] {strides = array<i32>} : memref<128x128xf32, #tpu.memory_space<vmem>>, vector<1x16xf32>,
      %get3A_241 = vector.shape_cast %get3A_240 : vector<1x16xf32> to vector<16xf32>
      %add3A_242 = arith.constant 0 : i32
      %add3A_243 = arith.addi %add3A_160, %add3A_242 : i32
      %get3A_244 = arith.index_cast %add3A_243 : i32 to index
      %get3A_245 = arith.constant 80 : index
      %get3A_246 = tpu.vector_load %arg9[%get3A_244, %get3A_245] {strides = array<i32>} : memref<128x128xf32, #tpu.memory_space<vmem>>, vector<1x16xf32>,
      %get3A_247 = vector.shape_cast %get3A_246 : vector<1x16xf32> to vector<16xf32>
      %sub3A_248 = arith.subf %get3A_241, %get3A_247 : vector<16xf32>
      %mul3A_249 = arith.mulf %sub3A_248, %sub3A_248 : vector<16xf32>
      %add3A_250 = arith.addf %add3A_235, %mul3A_249 : vector<16xf32>
      %add3A_251 = arith.constant 0 : i32
      %add3A_252 = arith.addi %add3A_160, %add3A_251 : i32
      %get3A_253 = arith.index_cast %add3A_252 : i32 to index
      %get3A_254 = arith.constant 96 : index
      %get3A_255 = tpu.vector_load %arg11[%get3A_253, %get3A_254] {strides = array<i32>} : memref<128x128xf32, #tpu.memory_space<vmem>>, vector<1x16xf32>,
      %get3A_256 = vector.shape_cast %get3A_255 : vector<1x16xf32> to vector<16xf32>
      %add3A_257 = arith.constant 0 : i32
      %add3A_258 = arith.addi %add3A_160, %add3A_257 : i32
      %get3A_259 = arith.index_cast %add3A_258 : i32 to index
      %get3A_260 = arith.constant 96 : index
      %get3A_261 = tpu.vector_load %arg9[%get3A_259, %get3A_260] {strides = array<i32>} : memref<128x128xf32, #tpu.memory_space<vmem>>, vector<1x16xf32>,
      %get3A_262 = vector.shape_cast %get3A_261 : vector<1x16xf32> to vector<16xf32>
      %sub3A_263 = arith.subf %get3A_256, %get3A_262 : vector<16xf32>
      %mul3A_264 = arith.mulf %sub3A_263, %sub3A_263 : vector<16xf32>
      %add3A_265 = arith.addf %add3A_250, %mul3A_264 : vector<16xf32>
      %add3A_266 = arith.constant 0 : i32
      %add3A_267 = arith.addi %add3A_160, %add3A_266 : i32
      %get3A_268 = arith.index_cast %add3A_267 : i32 to index
      %get3A_269 = arith.constant 112 : index
      %get3A_270 = tpu.vector_load %arg11[%get3A_268, %get3A_269] {strides = array<i32>} : memref<128x128xf32, #tpu.memory_space<vmem>>, vector<1x16xf32>,
      %get3A_271 = vector.shape_cast %get3A_270 : vector<1x16xf32> to vector<16xf32>
      %add3A_272 = arith.constant 0 : i32
      %add3A_273 = arith.addi %add3A_160, %add3A_272 : i32
      %get3A_274 = arith.index_cast %add3A_273 : i32 to index
      %get3A_275 = arith.constant 112 : index
      %get3A_276 = tpu.vector_load %arg9[%get3A_274, %get3A_275] {strides = array<i32>} : memref<128x128xf32, #tpu.memory_space<vmem>>, vector<1x16xf32>,
      %get3A_277 = vector.shape_cast %get3A_276 : vector<1x16xf32> to vector<16xf32>
      %sub3A_278 = arith.subf %get3A_271, %get3A_277 : vector<16xf32>
      %mul3A_279 = arith.mulf %sub3A_278, %sub3A_278 : vector<16xf32>
      %add3A_280 = arith.addf %add3A_265, %mul3A_279 : vector<16xf32>
      %add3A_281 = arith.constant 1 : i32
      %add3A_282 = arith.addi %add3A_160, %add3A_281 : i32
      %get3A_283 = arith.index_cast %add3A_282 : i32 to index
      %get3A_284 = arith.constant 0 : index
      %get3A_285 = tpu.vector_load %arg11[%get3A_283, %get3A_284] {strides = array<i32>} : memref<128x128xf32, #tpu.memory_space<vmem>>, vector<1x16xf32>,
      %get3A_286 = vector.shape_cast %get3A_285 : vector<1x16xf32> to vector<16xf32>
      %add3A_287 = arith.constant 1 : i32
      %add3A_288 = arith.addi %add3A_160, %add3A_287 : i32
      %get3A_289 = arith.index_cast %add3A_288 : i32 to index
      %get3A_290 = arith.constant 0 : index
      %get3A_291 = tpu.vector_load %arg9[%get3A_289, %get3A_290] {strides = array<i32>} : memref<128x128xf32, #tpu.memory_space<vmem>>, vector<1x16xf32>,
      %get3A_292 = vector.shape_cast %get3A_291 : vector<1x16xf32> to vector<16xf32>
      %sub3A_293 = arith.subf %get3A_286, %get3A_292 : vector<16xf32>
      %mul3A_294 = arith.mulf %sub3A_293, %sub3A_293 : vector<16xf32>
      %add3A_295 = arith.addf %add3A_280, %mul3A_294 : vector<16xf32>
      %add3A_296 = arith.constant 1 : i32
      %add3A_297 = arith.addi %add3A_160, %add3A_296 : i32
      %get3A_298 = arith.index_cast %add3A_297 : i32 to index
      %get3A_299 = arith.constant 16 : index
      %get3A_300 = tpu.vector_load %arg11[%get3A_298, %get3A_299] {strides = array<i32>} : memref<128x128xf32, #tpu.memory_space<vmem>>, vector<1x16xf32>,
      %get3A_301 = vector.shape_cast %get3A_300 : vector<1x16xf32> to vector<16xf32>
      %add3A_302 = arith.constant 1 : i32
      %add3A_303 = arith.addi %add3A_160, %add3A_302 : i32
      %get3A_304 = arith.index_cast %add3A_303 : i32 to index
      %get3A_305 = arith.constant 16 : index
      %get3A_306 = tpu.vector_load %arg9[%get3A_304, %get3A_305] {strides = array<i32>} : memref<128x128xf32, #tpu.memory_space<vmem>>, vector<1x16xf32>,
      %get3A_307 = vector.shape_cast %get3A_306 : vector<1x16xf32> to vector<16xf32>
      %sub3A_308 = arith.subf %get3A_301, %get3A_307 : vector<16xf32>
      %mul3A_309 = arith.mulf %sub3A_308, %sub3A_308 : vector<16xf32>
      %add3A_310 = arith.addf %add3A_295, %mul3A_309 : vector<16xf32>
      %add3A_311 = arith.constant 1 : i32
      %add3A_312 = arith.addi %add3A_160, %add3A_311 : i32
      %get3A_313 = arith.index_cast %add3A_312 : i32 to index
      %get3A_314 = arith.constant 32 : index
      %get3A_315 = tpu.vector_load %arg11[%get3A_313, %get3A_314] {strides = array<i32>} : memref<128x128xf32, #tpu.memory_space<vmem>>, vector<1x16xf32>,
      %get3A_316 = vector.shape_cast %get3A_315 : vector<1x16xf32> to vector<16xf32>
      %add3A_317 = arith.constant 1 : i32
      %add3A_318 = arith.addi %add3A_160, %add3A_317 : i32
      %get3A_319 = arith.index_cast %add3A_318 : i32 to index
      %get3A_320 = arith.constant 32 : index
      %get3A_321 = tpu.vector_load %arg9[%get3A_319, %get3A_320] {strides = array<i32>} : memref<128x128xf32, #tpu.memory_space<vmem>>, vector<1x16xf32>,
      %get3A_322 = vector.shape_cast %get3A_321 : vector<1x16xf32> to vector<16xf32>
      %sub3A_323 = arith.subf %get3A_316, %get3A_322 : vector<16xf32>
      %mul3A_324 = arith.mulf %sub3A_323, %sub3A_323 : vector<16xf32>
      %add3A_325 = arith.addf %add3A_310, %mul3A_324 : vector<16xf32>
      %add3A_326 = arith.constant 1 : i32
      %add3A_327 = arith.addi %add3A_160, %add3A_326 : i32
      %get3A_328 = arith.index_cast %add3A_327 : i32 to index
      %get3A_329 = arith.constant 48 : index
      %get3A_330 = tpu.vector_load %arg11[%get3A_328, %get3A_329] {strides = array<i32>} : memref<128x128xf32, #tpu.memory_space<vmem>>, vector<1x16xf32>,
      %get3A_331 = vector.shape_cast %get3A_330 : vector<1x16xf32> to vector<16xf32>
      %add3A_332 = arith.constant 1 : i32
      %add3A_333 = arith.addi %add3A_160, %add3A_332 : i32
      %get3A_334 = arith.index_cast %add3A_333 : i32 to index
      %get3A_335 = arith.constant 48 : index
      %get3A_336 = tpu.vector_load %arg9[%get3A_334, %get3A_335] {strides = array<i32>} : memref<128x128xf32, #tpu.memory_space<vmem>>, vector<1x16xf32>,
      %get3A_337 = vector.shape_cast %get3A_336 : vector<1x16xf32> to vector<16xf32>
      %sub3A_338 = arith.subf %get3A_331, %get3A_337 : vector<16xf32>
      %mul3A_339 = arith.mulf %sub3A_338, %sub3A_338 : vector<16xf32>
      %add3A_340 = arith.addf %add3A_325, %mul3A_339 : vector<16xf32>
      %add3A_341 = arith.constant 1 : i32
      %add3A_342 = arith.addi %add3A_160, %add3A_341 : i32
      %get3A_343 = arith.index_cast %add3A_342 : i32 to index
      %get3A_344 = arith.constant 64 : index
      %get3A_345 = tpu.vector_load %arg11[%get3A_343, %get3A_344] {strides = array<i32>} : memref<128x128xf32, #tpu.memory_space<vmem>>, vector<1x16xf32>,
      %get3A_346 = vector.shape_cast %get3A_345 : vector<1x16xf32> to vector<16xf32>
      %add3A_347 = arith.constant 1 : i32
      %add3A_348 = arith.addi %add3A_160, %add3A_347 : i32
      %get3A_349 = arith.index_cast %add3A_348 : i32 to index
      %get3A_350 = arith.constant 64 : index
      %get3A_351 = tpu.vector_load %arg9[%get3A_349, %get3A_350] {strides = array<i32>} : memref<128x128xf32, #tpu.memory_space<vmem>>, vector<1x16xf32>,
      %get3A_352 = vector.shape_cast %get3A_351 : vector<1x16xf32> to vector<16xf32>
      %sub3A_353 = arith.subf %get3A_346, %get3A_352 : vector<16xf32>
      %mul3A_354 = arith.mulf %sub3A_353, %sub3A_353 : vector<16xf32>
      %add3A_355 = arith.addf %add3A_340, %mul3A_354 : vector<16xf32>
      %add3A_356 = arith.constant 1 : i32
      %add3A_357 = arith.addi %add3A_160, %add3A_356 : i32
      %get3A_358 = arith.index_cast %add3A_357 : i32 to index
      %get3A_359 = arith.constant 80 : index
      %get3A_360 = tpu.vector_load %arg11[%get3A_358, %get3A_359] {strides = array<i32>} : memref<128x128xf32, #tpu.memory_space<vmem>>, vector<1x16xf32>,
      %get3A_361 = vector.shape_cast %get3A_360 : vector<1x16xf32> to vector<16xf32>
      %add3A_362 = arith.constant 1 : i32
      %add3A_363 = arith.addi %add3A_160, %add3A_362 : i32
      %get3A_364 = arith.index_cast %add3A_363 : i32 to index
      %get3A_365 = arith.constant 80 : index
      %get3A_366 = tpu.vector_load %arg9[%get3A_364, %get3A_365] {strides = array<i32>} : memref<128x128xf32, #tpu.memory_space<vmem>>, vector<1x16xf32>,
      %get3A_367 = vector.shape_cast %get3A_366 : vector<1x16xf32> to vector<16xf32>
      %sub3A_368 = arith.subf %get3A_361, %get3A_367 : vector<16xf32>
      %mul3A_369 = arith.mulf %sub3A_368, %sub3A_368 : vector<16xf32>
      %add3A_370 = arith.addf %add3A_355, %mul3A_369 : vector<16xf32>
      %add3A_371 = arith.constant 1 : i32
      %add3A_372 = arith.addi %add3A_160, %add3A_371 : i32
      %get3A_373 = arith.index_cast %add3A_372 : i32 to index
      %get3A_374 = arith.constant 96 : index
      %get3A_375 = tpu.vector_load %arg11[%get3A_373, %get3A_374] {strides = array<i32>} : memref<128x128xf32, #tpu.memory_space<vmem>>, vector<1x16xf32>,
      %get3A_376 = vector.shape_cast %get3A_375 : vector<1x16xf32> to vector<16xf32>
      %add3A_377 = arith.constant 1 : i32
      %add3A_378 = arith.addi %add3A_160, %add3A_377 : i32
      %get3A_379 = arith.index_cast %add3A_378 : i32 to index
      %get3A_380 = arith.constant 96 : index
      %get3A_381 = tpu.vector_load %arg9[%get3A_379, %get3A_380] {strides = array<i32>} : memref<128x128xf32, #tpu.memory_space<vmem>>, vector<1x16xf32>,
      %get3A_382 = vector.shape_cast %get3A_381 : vector<1x16xf32> to vector<16xf32>
      %sub3A_383 = arith.subf %get3A_376, %get3A_382 : vector<16xf32>
      %mul3A_384 = arith.mulf %sub3A_383, %sub3A_383 : vector<16xf32>
      %add3A_385 = arith.addf %add3A_370, %mul3A_384 : vector<16xf32>
      %add3A_386 = arith.constant 1 : i32
      %add3A_387 = arith.addi %add3A_160, %add3A_386 : i32
      %get3A_388 = arith.index_cast %add3A_387 : i32 to index
      %get3A_389 = arith.constant 112 : index
      %get3A_390 = tpu.vector_load %arg11[%get3A_388, %get3A_389] {strides = array<i32>} : memref<128x128xf32, #tpu.memory_space<vmem>>, vector<1x16xf32>,
      %get3A_391 = vector.shape_cast %get3A_390 : vector<1x16xf32> to vector<16xf32>
      %add3A_392 = arith.constant 1 : i32
      %add3A_393 = arith.addi %add3A_160, %add3A_392 : i32
      %get3A_394 = arith.index_cast %add3A_393 : i32 to index
      %get3A_395 = arith.constant 112 : index
      %get3A_396 = tpu.vector_load %arg9[%get3A_394, %get3A_395] {strides = array<i32>} : memref<128x128xf32, #tpu.memory_space<vmem>>, vector<1x16xf32>,
      %get3A_397 = vector.shape_cast %get3A_396 : vector<1x16xf32> to vector<16xf32>
      %sub3A_398 = arith.subf %get3A_391, %get3A_397 : vector<16xf32>
      %mul3A_399 = arith.mulf %sub3A_398, %sub3A_398 : vector<16xf32>
      %add3A_400 = arith.addf %add3A_385, %mul3A_399 : vector<16xf32>
      scf.yield %add3A_400 : vector<16xf32>
    }
    %scan3A_127 = arith.constant 32 : i32
    %dma_wait3A_128 = arith.constant 64 : i32
    %dma_wait3A_129 = arith.constant 0 : i32
    %dma_wait3A_130 = tpu.memref_slice %arg9[%dma_wait3A_128, %dma_wait3A_129] : memref<128x128xf32, #tpu.memory_space<vmem>> -> memref<64x128xf32, #tpu.memory_space<vmem>>
    %dma_wait3A_131 = arith.constant 64 : i32
    %dma_wait3A_132 = tpu.memref_slice %arg8[%dma_wait3A_131] : memref<128xi32, #tpu.memory_space<vmem>> -> memref<64xi32, #tpu.memory_space<vmem>>
    %dma_wait3A_133 = arith.constant 0 : i32
    %dma_wait3A_134 = arith.constant 0 : i32
    %dma_wait3A_135 = tpu.memref_slice %arg2[%dma_wait3A_133, %dma_wait3A_134] : memref<100000x128xf32, #tpu.memory_space<hbm>> -> memref<100000x128xf32, #tpu.memory_space<hbm>>
    tpu.wait_indirect_dma semaphore(%arg19 : memref<!tpu.dma_semaphore, #tpu.memory_space<semaphore_mem>>) src(%dma_wait3A_135 : memref<100000x128xf32, #tpu.memory_space<hbm>>) dst(%dma_wait3A_130 : memref<64x128xf32, #tpu.memory_space<vmem>>)
    %scan3A_136 = arith.constant 0 : i32
    %scan3A_137 = arith.constant 32 : i32
    %scan3A_138 = arith.addi %scan3A_136, %scan3A_137 : i32
    %scan3A_139 = arith.constant 1 : i32
    %scan3A_140 = scf.for %scan3A_155 = %scan3A_136 to %scan3A_138 step %scan3A_139 iter_args(%scan3A_156 = %scan3A_126) -> (vector<16xf32>)  : i32 {
      %mul3A_157 = arith.constant 2 : i32
      %mul3A_158 = arith.muli %mul3A_157, %scan3A_155 : i32
      %add3A_159 = arith.constant 64 : i32
      %add3A_160 = arith.addi %add3A_159, %mul3A_158 : i32
      %add3A_161 = arith.constant 0 : i32
      %add3A_162 = arith.addi %add3A_160, %add3A_161 : i32
      %get3A_163 = arith.index_cast %add3A_162 : i32 to index
      %get3A_164 = arith.constant 0 : index
      %get3A_165 = tpu.vector_load %arg11[%get3A_163, %get3A_164] {strides = array<i32>} : memref<128x128xf32, #tpu.memory_space<vmem>>, vector<1x16xf32>,
      %get3A_166 = vector.shape_cast %get3A_165 : vector<1x16xf32> to vector<16xf32>
      %add3A_167 = arith.constant 0 : i32
      %add3A_168 = arith.addi %add3A_160, %add3A_167 : i32
      %get3A_169 = arith.index_cast %add3A_168 : i32 to index
      %get3A_170 = arith.constant 0 : index
      %get3A_171 = tpu.vector_load %arg9[%get3A_169, %get3A_170] {strides = array<i32>} : memref<128x128xf32, #tpu.memory_space<vmem>>, vector<1x16xf32>,
      %get3A_172 = vector.shape_cast %get3A_171 : vector<1x16xf32> to vector<16xf32>
      %sub3A_173 = arith.subf %get3A_166, %get3A_172 : vector<16xf32>
      %mul3A_174 = arith.mulf %sub3A_173, %sub3A_173 : vector<16xf32>
      %add3A_175 = arith.addf %scan3A_156, %mul3A_174 : vector<16xf32>
      %add3A_176 = arith.constant 0 : i32
      %add3A_177 = arith.addi %add3A_160, %add3A_176 : i32
      %get3A_178 = arith.index_cast %add3A_177 : i32 to index
      %get3A_179 = arith.constant 16 : index
      %get3A_180 = tpu.vector_load %arg11[%get3A_178, %get3A_179] {strides = array<i32>} : memref<128x128xf32, #tpu.memory_space<vmem>>, vector<1x16xf32>,
      %get3A_181 = vector.shape_cast %get3A_180 : vector<1x16xf32> to vector<16xf32>
      %add3A_182 = arith.constant 0 : i32
      %add3A_183 = arith.addi %add3A_160, %add3A_182 : i32
      %get3A_184 = arith.index_cast %add3A_183 : i32 to index
      %get3A_185 = arith.constant 16 : index
      %get3A_186 = tpu.vector_load %arg9[%get3A_184, %get3A_185] {strides = array<i32>} : memref<128x128xf32, #tpu.memory_space<vmem>>, vector<1x16xf32>,
      %get3A_187 = vector.shape_cast %get3A_186 : vector<1x16xf32> to vector<16xf32>
      %sub3A_188 = arith.subf %get3A_181, %get3A_187 : vector<16xf32>
      %mul3A_189 = arith.mulf %sub3A_188, %sub3A_188 : vector<16xf32>
      %add3A_190 = arith.addf %add3A_175, %mul3A_189 : vector<16xf32>
      %add3A_191 = arith.constant 0 : i32
      %add3A_192 = arith.addi %add3A_160, %add3A_191 : i32
      %get3A_193 = arith.index_cast %add3A_192 : i32 to index
      %get3A_194 = arith.constant 32 : index
      %get3A_195 = tpu.vector_load %arg11[%get3A_193, %get3A_194] {strides = array<i32>} : memref<128x128xf32, #tpu.memory_space<vmem>>, vector<1x16xf32>,
      %get3A_196 = vector.shape_cast %get3A_195 : vector<1x16xf32> to vector<16xf32>
      %add3A_197 = arith.constant 0 : i32
      %add3A_198 = arith.addi %add3A_160, %add3A_197 : i32
      %get3A_199 = arith.index_cast %add3A_198 : i32 to index
      %get3A_200 = arith.constant 32 : index
      %get3A_201 = tpu.vector_load %arg9[%get3A_199, %get3A_200] {strides = array<i32>} : memref<128x128xf32, #tpu.memory_space<vmem>>, vector<1x16xf32>,
      %get3A_202 = vector.shape_cast %get3A_201 : vector<1x16xf32> to vector<16xf32>
      %sub3A_203 = arith.subf %get3A_196, %get3A_202 : vector<16xf32>
      %mul3A_204 = arith.mulf %sub3A_203, %sub3A_203 : vector<16xf32>
      %add3A_205 = arith.addf %add3A_190, %mul3A_204 : vector<16xf32>
      %add3A_206 = arith.constant 0 : i32
      %add3A_207 = arith.addi %add3A_160, %add3A_206 : i32
      %get3A_208 = arith.index_cast %add3A_207 : i32 to index
      %get3A_209 = arith.constant 48 : index
      %get3A_210 = tpu.vector_load %arg11[%get3A_208, %get3A_209] {strides = array<i32>} : memref<128x128xf32, #tpu.memory_space<vmem>>, vector<1x16xf32>,
      %get3A_211 = vector.shape_cast %get3A_210 : vector<1x16xf32> to vector<16xf32>
      %add3A_212 = arith.constant 0 : i32
      %add3A_213 = arith.addi %add3A_160, %add3A_212 : i32
      %get3A_214 = arith.index_cast %add3A_213 : i32 to index
      %get3A_215 = arith.constant 48 : index
      %get3A_216 = tpu.vector_load %arg9[%get3A_214, %get3A_215] {strides = array<i32>} : memref<128x128xf32, #tpu.memory_space<vmem>>, vector<1x16xf32>,
      %get3A_217 = vector.shape_cast %get3A_216 : vector<1x16xf32> to vector<16xf32>
      %sub3A_218 = arith.subf %get3A_211, %get3A_217 : vector<16xf32>
      %mul3A_219 = arith.mulf %sub3A_218, %sub3A_218 : vector<16xf32>
      %add3A_220 = arith.addf %add3A_205, %mul3A_219 : vector<16xf32>
      %add3A_221 = arith.constant 0 : i32
      %add3A_222 = arith.addi %add3A_160, %add3A_221 : i32
      %get3A_223 = arith.index_cast %add3A_222 : i32 to index
      %get3A_224 = arith.constant 64 : index
      %get3A_225 = tpu.vector_load %arg11[%get3A_223, %get3A_224] {strides = array<i32>} : memref<128x128xf32, #tpu.memory_space<vmem>>, vector<1x16xf32>,
      %get3A_226 = vector.shape_cast %get3A_225 : vector<1x16xf32> to vector<16xf32>
      %add3A_227 = arith.constant 0 : i32
      %add3A_228 = arith.addi %add3A_160, %add3A_227 : i32
      %get3A_229 = arith.index_cast %add3A_228 : i32 to index
      %get3A_230 = arith.constant 64 : index
      %get3A_231 = tpu.vector_load %arg9[%get3A_229, %get3A_230] {strides = array<i32>} : memref<128x128xf32, #tpu.memory_space<vmem>>, vector<1x16xf32>,
      %get3A_232 = vector.shape_cast %get3A_231 : vector<1x16xf32> to vector<16xf32>
      %sub3A_233 = arith.subf %get3A_226, %get3A_232 : vector<16xf32>
      %mul3A_234 = arith.mulf %sub3A_233, %sub3A_233 : vector<16xf32>
      %add3A_235 = arith.addf %add3A_220, %mul3A_234 : vector<16xf32>
      %add3A_236 = arith.constant 0 : i32
      %add3A_237 = arith.addi %add3A_160, %add3A_236 : i32
      %get3A_238 = arith.index_cast %add3A_237 : i32 to index
      %get3A_239 = arith.constant 80 : index
      %get3A_240 = tpu.vector_load %arg11[%get3A_238, %get3A_239] {strides = array<i32>} : memref<128x128xf32, #tpu.memory_space<vmem>>, vector<1x16xf32>,
      %get3A_241 = vector.shape_cast %get3A_240 : vector<1x16xf32> to vector<16xf32>
      %add3A_242 = arith.constant 0 : i32
      %add3A_243 = arith.addi %add3A_160, %add3A_242 : i32
      %get3A_244 = arith.index_cast %add3A_243 : i32 to index
      %get3A_245 = arith.constant 80 : index
      %get3A_246 = tpu.vector_load %arg9[%get3A_244, %get3A_245] {strides = array<i32>} : memref<128x128xf32, #tpu.memory_space<vmem>>, vector<1x16xf32>,
      %get3A_247 = vector.shape_cast %get3A_246 : vector<1x16xf32> to vector<16xf32>
      %sub3A_248 = arith.subf %get3A_241, %get3A_247 : vector<16xf32>
      %mul3A_249 = arith.mulf %sub3A_248, %sub3A_248 : vector<16xf32>
      %add3A_250 = arith.addf %add3A_235, %mul3A_249 : vector<16xf32>
      %add3A_251 = arith.constant 0 : i32
      %add3A_252 = arith.addi %add3A_160, %add3A_251 : i32
      %get3A_253 = arith.index_cast %add3A_252 : i32 to index
      %get3A_254 = arith.constant 96 : index
      %get3A_255 = tpu.vector_load %arg11[%get3A_253, %get3A_254] {strides = array<i32>} : memref<128x128xf32, #tpu.memory_space<vmem>>, vector<1x16xf32>,
      %get3A_256 = vector.shape_cast %get3A_255 : vector<1x16xf32> to vector<16xf32>
      %add3A_257 = arith.constant 0 : i32
      %add3A_258 = arith.addi %add3A_160, %add3A_257 : i32
      %get3A_259 = arith.index_cast %add3A_258 : i32 to index
      %get3A_260 = arith.constant 96 : index
      %get3A_261 = tpu.vector_load %arg9[%get3A_259, %get3A_260] {strides = array<i32>} : memref<128x128xf32, #tpu.memory_space<vmem>>, vector<1x16xf32>,
      %get3A_262 = vector.shape_cast %get3A_261 : vector<1x16xf32> to vector<16xf32>
      %sub3A_263 = arith.subf %get3A_256, %get3A_262 : vector<16xf32>
      %mul3A_264 = arith.mulf %sub3A_263, %sub3A_263 : vector<16xf32>
      %add3A_265 = arith.addf %add3A_250, %mul3A_264 : vector<16xf32>
      %add3A_266 = arith.constant 0 : i32
      %add3A_267 = arith.addi %add3A_160, %add3A_266 : i32
      %get3A_268 = arith.index_cast %add3A_267 : i32 to index
      %get3A_269 = arith.constant 112 : index
      %get3A_270 = tpu.vector_load %arg11[%get3A_268, %get3A_269] {strides = array<i32>} : memref<128x128xf32, #tpu.memory_space<vmem>>, vector<1x16xf32>,
      %get3A_271 = vector.shape_cast %get3A_270 : vector<1x16xf32> to vector<16xf32>
      %add3A_272 = arith.constant 0 : i32
      %add3A_273 = arith.addi %add3A_160, %add3A_272 : i32
      %get3A_274 = arith.index_cast %add3A_273 : i32 to index
      %get3A_275 = arith.constant 112 : index
      %get3A_276 = tpu.vector_load %arg9[%get3A_274, %get3A_275] {strides = array<i32>} : memref<128x128xf32, #tpu.memory_space<vmem>>, vector<1x16xf32>,
      %get3A_277 = vector.shape_cast %get3A_276 : vector<1x16xf32> to vector<16xf32>
      %sub3A_278 = arith.subf %get3A_271, %get3A_277 : vector<16xf32>
      %mul3A_279 = arith.mulf %sub3A_278, %sub3A_278 : vector<16xf32>
      %add3A_280 = arith.addf %add3A_265, %mul3A_279 : vector<16xf32>
      %add3A_281 = arith.constant 1 : i32
      %add3A_282 = arith.addi %add3A_160, %add3A_281 : i32
      %get3A_283 = arith.index_cast %add3A_282 : i32 to index
      %get3A_284 = arith.constant 0 : index
      %get3A_285 = tpu.vector_load %arg11[%get3A_283, %get3A_284] {strides = array<i32>} : memref<128x128xf32, #tpu.memory_space<vmem>>, vector<1x16xf32>,
      %get3A_286 = vector.shape_cast %get3A_285 : vector<1x16xf32> to vector<16xf32>
      %add3A_287 = arith.constant 1 : i32
      %add3A_288 = arith.addi %add3A_160, %add3A_287 : i32
      %get3A_289 = arith.index_cast %add3A_288 : i32 to index
      %get3A_290 = arith.constant 0 : index
      %get3A_291 = tpu.vector_load %arg9[%get3A_289, %get3A_290] {strides = array<i32>} : memref<128x128xf32, #tpu.memory_space<vmem>>, vector<1x16xf32>,
      %get3A_292 = vector.shape_cast %get3A_291 : vector<1x16xf32> to vector<16xf32>
      %sub3A_293 = arith.subf %get3A_286, %get3A_292 : vector<16xf32>
      %mul3A_294 = arith.mulf %sub3A_293, %sub3A_293 : vector<16xf32>
      %add3A_295 = arith.addf %add3A_280, %mul3A_294 : vector<16xf32>
      %add3A_296 = arith.constant 1 : i32
      %add3A_297 = arith.addi %add3A_160, %add3A_296 : i32
      %get3A_298 = arith.index_cast %add3A_297 : i32 to index
      %get3A_299 = arith.constant 16 : index
      %get3A_300 = tpu.vector_load %arg11[%get3A_298, %get3A_299] {strides = array<i32>} : memref<128x128xf32, #tpu.memory_space<vmem>>, vector<1x16xf32>,
      %get3A_301 = vector.shape_cast %get3A_300 : vector<1x16xf32> to vector<16xf32>
      %add3A_302 = arith.constant 1 : i32
      %add3A_303 = arith.addi %add3A_160, %add3A_302 : i32
      %get3A_304 = arith.index_cast %add3A_303 : i32 to index
      %get3A_305 = arith.constant 16 : index
      %get3A_306 = tpu.vector_load %arg9[%get3A_304, %get3A_305] {strides = array<i32>} : memref<128x128xf32, #tpu.memory_space<vmem>>, vector<1x16xf32>,
      %get3A_307 = vector.shape_cast %get3A_306 : vector<1x16xf32> to vector<16xf32>
      %sub3A_308 = arith.subf %get3A_301, %get3A_307 : vector<16xf32>
      %mul3A_309 = arith.mulf %sub3A_308, %sub3A_308 : vector<16xf32>
      %add3A_310 = arith.addf %add3A_295, %mul3A_309 : vector<16xf32>
      %add3A_311 = arith.constant 1 : i32
      %add3A_312 = arith.addi %add3A_160, %add3A_311 : i32
      %get3A_313 = arith.index_cast %add3A_312 : i32 to index
      %get3A_314 = arith.constant 32 : index
      %get3A_315 = tpu.vector_load %arg11[%get3A_313, %get3A_314] {strides = array<i32>} : memref<128x128xf32, #tpu.memory_space<vmem>>, vector<1x16xf32>,
      %get3A_316 = vector.shape_cast %get3A_315 : vector<1x16xf32> to vector<16xf32>
      %add3A_317 = arith.constant 1 : i32
      %add3A_318 = arith.addi %add3A_160, %add3A_317 : i32
      %get3A_319 = arith.index_cast %add3A_318 : i32 to index
      %get3A_320 = arith.constant 32 : index
      %get3A_321 = tpu.vector_load %arg9[%get3A_319, %get3A_320] {strides = array<i32>} : memref<128x128xf32, #tpu.memory_space<vmem>>, vector<1x16xf32>,
      %get3A_322 = vector.shape_cast %get3A_321 : vector<1x16xf32> to vector<16xf32>
      %sub3A_323 = arith.subf %get3A_316, %get3A_322 : vector<16xf32>
      %mul3A_324 = arith.mulf %sub3A_323, %sub3A_323 : vector<16xf32>
      %add3A_325 = arith.addf %add3A_310, %mul3A_324 : vector<16xf32>
      %add3A_326 = arith.constant 1 : i32
      %add3A_327 = arith.addi %add3A_160, %add3A_326 : i32
      %get3A_328 = arith.index_cast %add3A_327 : i32 to index
      %get3A_329 = arith.constant 48 : index
      %get3A_330 = tpu.vector_load %arg11[%get3A_328, %get3A_329] {strides = array<i32>} : memref<128x128xf32, #tpu.memory_space<vmem>>, vector<1x16xf32>,
      %get3A_331 = vector.shape_cast %get3A_330 : vector<1x16xf32> to vector<16xf32>
      %add3A_332 = arith.constant 1 : i32
      %add3A_333 = arith.addi %add3A_160, %add3A_332 : i32
      %get3A_334 = arith.index_cast %add3A_333 : i32 to index
      %get3A_335 = arith.constant 48 : index
      %get3A_336 = tpu.vector_load %arg9[%get3A_334, %get3A_335] {strides = array<i32>} : memref<128x128xf32, #tpu.memory_space<vmem>>, vector<1x16xf32>,
      %get3A_337 = vector.shape_cast %get3A_336 : vector<1x16xf32> to vector<16xf32>
      %sub3A_338 = arith.subf %get3A_331, %get3A_337 : vector<16xf32>
      %mul3A_339 = arith.mulf %sub3A_338, %sub3A_338 : vector<16xf32>
      %add3A_340 = arith.addf %add3A_325, %mul3A_339 : vector<16xf32>
      %add3A_341 = arith.constant 1 : i32
      %add3A_342 = arith.addi %add3A_160, %add3A_341 : i32
      %get3A_343 = arith.index_cast %add3A_342 : i32 to index
      %get3A_344 = arith.constant 64 : index
      %get3A_345 = tpu.vector_load %arg11[%get3A_343, %get3A_344] {strides = array<i32>} : memref<128x128xf32, #tpu.memory_space<vmem>>, vector<1x16xf32>,
      %get3A_346 = vector.shape_cast %get3A_345 : vector<1x16xf32> to vector<16xf32>
      %add3A_347 = arith.constant 1 : i32
      %add3A_348 = arith.addi %add3A_160, %add3A_347 : i32
      %get3A_349 = arith.index_cast %add3A_348 : i32 to index
      %get3A_350 = arith.constant 64 : index
      %get3A_351 = tpu.vector_load %arg9[%get3A_349, %get3A_350] {strides = array<i32>} : memref<128x128xf32, #tpu.memory_space<vmem>>, vector<1x16xf32>,
      %get3A_352 = vector.shape_cast %get3A_351 : vector<1x16xf32> to vector<16xf32>
      %sub3A_353 = arith.subf %get3A_346, %get3A_352 : vector<16xf32>
      %mul3A_354 = arith.mulf %sub3A_353, %sub3A_353 : vector<16xf32>
      %add3A_355 = arith.addf %add3A_340, %mul3A_354 : vector<16xf32>
      %add3A_356 = arith.constant 1 : i32
      %add3A_357 = arith.addi %add3A_160, %add3A_356 : i32
      %get3A_358 = arith.index_cast %add3A_357 : i32 to index
      %get3A_359 = arith.constant 80 : index
      %get3A_360 = tpu.vector_load %arg11[%get3A_358, %get3A_359] {strides = array<i32>} : memref<128x128xf32, #tpu.memory_space<vmem>>, vector<1x16xf32>,
      %get3A_361 = vector.shape_cast %get3A_360 : vector<1x16xf32> to vector<16xf32>
      %add3A_362 = arith.constant 1 : i32
      %add3A_363 = arith.addi %add3A_160, %add3A_362 : i32
      %get3A_364 = arith.index_cast %add3A_363 : i32 to index
      %get3A_365 = arith.constant 80 : index
      %get3A_366 = tpu.vector_load %arg9[%get3A_364, %get3A_365] {strides = array<i32>} : memref<128x128xf32, #tpu.memory_space<vmem>>, vector<1x16xf32>,
      %get3A_367 = vector.shape_cast %get3A_366 : vector<1x16xf32> to vector<16xf32>
      %sub3A_368 = arith.subf %get3A_361, %get3A_367 : vector<16xf32>
      %mul3A_369 = arith.mulf %sub3A_368, %sub3A_368 : vector<16xf32>
      %add3A_370 = arith.addf %add3A_355, %mul3A_369 : vector<16xf32>
      %add3A_371 = arith.constant 1 : i32
      %add3A_372 = arith.addi %add3A_160, %add3A_371 : i32
      %get3A_373 = arith.index_cast %add3A_372 : i32 to index
      %get3A_374 = arith.constant 96 : index
      %get3A_375 = tpu.vector_load %arg11[%get3A_373, %get3A_374] {strides = array<i32>} : memref<128x128xf32, #tpu.memory_space<vmem>>, vector<1x16xf32>,
      %get3A_376 = vector.shape_cast %get3A_375 : vector<1x16xf32> to vector<16xf32>
      %add3A_377 = arith.constant 1 : i32
      %add3A_378 = arith.addi %add3A_160, %add3A_377 : i32
      %get3A_379 = arith.index_cast %add3A_378 : i32 to index
      %get3A_380 = arith.constant 96 : index
      %get3A_381 = tpu.vector_load %arg9[%get3A_379, %get3A_380] {strides = array<i32>} : memref<128x128xf32, #tpu.memory_space<vmem>>, vector<1x16xf32>,
      %get3A_382 = vector.shape_cast %get3A_381 : vector<1x16xf32> to vector<16xf32>
      %sub3A_383 = arith.subf %get3A_376, %get3A_382 : vector<16xf32>
      %mul3A_384 = arith.mulf %sub3A_383, %sub3A_383 : vector<16xf32>
      %add3A_385 = arith.addf %add3A_370, %mul3A_384 : vector<16xf32>
      %add3A_386 = arith.constant 1 : i32
      %add3A_387 = arith.addi %add3A_160, %add3A_386 : i32
      %get3A_388 = arith.index_cast %add3A_387 : i32 to index
      %get3A_389 = arith.constant 112 : index
      %get3A_390 = tpu.vector_load %arg11[%get3A_388, %get3A_389] {strides = array<i32>} : memref<128x128xf32, #tpu.memory_space<vmem>>, vector<1x16xf32>,
      %get3A_391 = vector.shape_cast %get3A_390 : vector<1x16xf32> to vector<16xf32>
      %add3A_392 = arith.constant 1 : i32
      %add3A_393 = arith.addi %add3A_160, %add3A_392 : i32
      %get3A_394 = arith.index_cast %add3A_393 : i32 to index
      %get3A_395 = arith.constant 112 : index
      %get3A_396 = tpu.vector_load %arg9[%get3A_394, %get3A_395] {strides = array<i32>} : memref<128x128xf32, #tpu.memory_space<vmem>>, vector<1x16xf32>,
      %get3A_397 = vector.shape_cast %get3A_396 : vector<1x16xf32> to vector<16xf32>
      %sub3A_398 = arith.subf %get3A_391, %get3A_397 : vector<16xf32>
      %mul3A_399 = arith.mulf %sub3A_398, %sub3A_398 : vector<16xf32>
      %add3A_400 = arith.addf %add3A_385, %mul3A_399 : vector<16xf32>
      scf.yield %add3A_400 : vector<16xf32>
    }
    %scan3A_141 = arith.constant 32 : i32
    %eq3A_142 = arith.constant 0 : i32
    %eq3A_143 = arith.cmpi eq, %arg0, %eq3A_142 : i32
    %convert_element_type3A_144 = arith.extui %eq3A_143 : i1 to i32
    %cond3A_145 = arith.constant 0 : i32
    %cond3A_146 = arith.cmpi ne, %convert_element_type3A_144, %cond3A_145 : i32
    scf.if %cond3A_146 {
      %broadcast_in_dim3A_155 = arith.constant 0.000000e+00 : f32
      %broadcast_in_dim3A_156 = vector.broadcast %broadcast_in_dim3A_155 : f32 to vector<16xf32>
      %dma_start3A_157 = arith.constant 0 : i32
      %dma_start3A_158 = tpu.memref_slice %arg13[%dma_start3A_157] : memref<100352xf32, #tpu.memory_space<vmem_shared>> -> memref<100352xf32, #tpu.memory_space<vmem_shared>>
      tpu.enqueue_indirect_dma source(%dma_start3A_158 : memref<100352xf32, #tpu.memory_space<vmem_shared>>) target(%arg16 : memref<128xf32, #tpu.memory_space<vmem>>) offsets(%arg7 : memref<128xi32, #tpu.memory_space<vmem>>) semaphore(%arg23 : memref<!tpu.dma_semaphore, #tpu.memory_space<semaphore_mem>>)
      %dma_wait3A_159 = arith.constant 0 : i32
      %dma_wait3A_160 = tpu.memref_slice %arg13[%dma_wait3A_159] : memref<100352xf32, #tpu.memory_space<vmem_shared>> -> memref<100352xf32, #tpu.memory_space<vmem_shared>>
      tpu.wait_indirect_dma semaphore(%arg23 : memref<!tpu.dma_semaphore, #tpu.memory_space<semaphore_mem>>) src(%dma_wait3A_160 : memref<100352xf32, #tpu.memory_space<vmem_shared>>) dst(%arg16 : memref<128xf32, #tpu.memory_space<vmem>>)
      %get3A_161 = arith.constant 0 : index
      %get3A_162 = tpu.vector_load %arg16[%get3A_161] {strides = array<i32>} : memref<128xf32, #tpu.memory_space<vmem>>, vector<16xf32>,
      %get3A_163 = vector.shape_cast %get3A_162 : vector<16xf32> to vector<16xf32>
      %add3A_164 = arith.addf %broadcast_in_dim3A_156, %get3A_163 : vector<16xf32>
      %get3A_165 = arith.constant 16 : index
      %get3A_166 = tpu.vector_load %arg16[%get3A_165] {strides = array<i32>} : memref<128xf32, #tpu.memory_space<vmem>>, vector<16xf32>,
      %get3A_167 = vector.shape_cast %get3A_166 : vector<16xf32> to vector<16xf32>
      %add3A_168 = arith.addf %add3A_164, %get3A_167 : vector<16xf32>
      %get3A_169 = arith.constant 32 : index
      %get3A_170 = tpu.vector_load %arg16[%get3A_169] {strides = array<i32>} : memref<128xf32, #tpu.memory_space<vmem>>, vector<16xf32>,
      %get3A_171 = vector.shape_cast %get3A_170 : vector<16xf32> to vector<16xf32>
      %add3A_172 = arith.addf %add3A_168, %get3A_171 : vector<16xf32>
      %get3A_173 = arith.constant 48 : index
      %get3A_174 = tpu.vector_load %arg16[%get3A_173] {strides = array<i32>} : memref<128xf32, #tpu.memory_space<vmem>>, vector<16xf32>,
      %get3A_175 = vector.shape_cast %get3A_174 : vector<16xf32> to vector<16xf32>
      %add3A_176 = arith.addf %add3A_172, %get3A_175 : vector<16xf32>
      %get3A_177 = arith.constant 64 : index
      %get3A_178 = tpu.vector_load %arg16[%get3A_177] {strides = array<i32>} : memref<128xf32, #tpu.memory_space<vmem>>, vector<16xf32>,
      %get3A_179 = vector.shape_cast %get3A_178 : vector<16xf32> to vector<16xf32>
      %add3A_180 = arith.addf %add3A_176, %get3A_179 : vector<16xf32>
      %get3A_181 = arith.constant 80 : index
      %get3A_182 = tpu.vector_load %arg16[%get3A_181] {strides = array<i32>} : memref<128xf32, #tpu.memory_space<vmem>>, vector<16xf32>,
      %get3A_183 = vector.shape_cast %get3A_182 : vector<16xf32> to vector<16xf32>
      %add3A_184 = arith.addf %add3A_180, %get3A_183 : vector<16xf32>
      %get3A_185 = arith.constant 96 : index
      %get3A_186 = tpu.vector_load %arg16[%get3A_185] {strides = array<i32>} : memref<128xf32, #tpu.memory_space<vmem>>, vector<16xf32>,
      %get3A_187 = vector.shape_cast %get3A_186 : vector<16xf32> to vector<16xf32>
      %add3A_188 = arith.addf %add3A_184, %get3A_187 : vector<16xf32>
      %get3A_189 = arith.constant 112 : index
      %get3A_190 = tpu.vector_load %arg16[%get3A_189] {strides = array<i32>} : memref<128xf32, #tpu.memory_space<vmem>>, vector<16xf32>,
      %get3A_191 = vector.shape_cast %get3A_190 : vector<16xf32> to vector<16xf32>
      %add3A_192 = arith.addf %add3A_188, %get3A_191 : vector<16xf32>
      %dma_start3A_193 = arith.constant 0 : i32
      %dma_start3A_194 = tpu.memref_slice %arg13[%dma_start3A_193] : memref<100352xf32, #tpu.memory_space<vmem_shared>> -> memref<100352xf32, #tpu.memory_space<vmem_shared>>
      tpu.enqueue_indirect_dma source(%dma_start3A_194 : memref<100352xf32, #tpu.memory_space<vmem_shared>>) target(%arg16 : memref<128xf32, #tpu.memory_space<vmem>>) offsets(%arg15 : memref<128xi32, #tpu.memory_space<vmem>>) semaphore(%arg23 : memref<!tpu.dma_semaphore, #tpu.memory_space<semaphore_mem>>)
      %dma_wait3A_195 = arith.constant 0 : i32
      %dma_wait3A_196 = tpu.memref_slice %arg13[%dma_wait3A_195] : memref<100352xf32, #tpu.memory_space<vmem_shared>> -> memref<100352xf32, #tpu.memory_space<vmem_shared>>
      tpu.wait_indirect_dma semaphore(%arg23 : memref<!tpu.dma_semaphore, #tpu.memory_space<semaphore_mem>>) src(%dma_wait3A_196 : memref<100352xf32, #tpu.memory_space<vmem_shared>>) dst(%arg16 : memref<128xf32, #tpu.memory_space<vmem>>)
      %get3A_197 = arith.constant 0 : index
      %get3A_198 = tpu.vector_load %arg16[%get3A_197] {strides = array<i32>} : memref<128xf32, #tpu.memory_space<vmem>>, vector<16xf32>,
      %get3A_199 = vector.shape_cast %get3A_198 : vector<16xf32> to vector<16xf32>
      %add3A_200 = arith.addf %add3A_192, %get3A_199 : vector<16xf32>
      %get3A_201 = arith.constant 16 : index
      %get3A_202 = tpu.vector_load %arg16[%get3A_201] {strides = array<i32>} : memref<128xf32, #tpu.memory_space<vmem>>, vector<16xf32>,
      %get3A_203 = vector.shape_cast %get3A_202 : vector<16xf32> to vector<16xf32>
      %add3A_204 = arith.addf %add3A_200, %get3A_203 : vector<16xf32>
      %get3A_205 = arith.constant 32 : index
      %get3A_206 = tpu.vector_load %arg16[%get3A_205] {strides = array<i32>} : memref<128xf32, #tpu.memory_space<vmem>>, vector<16xf32>,
      %get3A_207 = vector.shape_cast %get3A_206 : vector<16xf32> to vector<16xf32>
      %add3A_208 = arith.addf %add3A_204, %get3A_207 : vector<16xf32>
      %get3A_209 = arith.constant 48 : index
      %get3A_210 = tpu.vector_load %arg16[%get3A_209] {strides = array<i32>} : memref<128xf32, #tpu.memory_space<vmem>>, vector<16xf32>,
      %get3A_211 = vector.shape_cast %get3A_210 : vector<16xf32> to vector<16xf32>
      %add3A_212 = arith.addf %add3A_208, %get3A_211 : vector<16xf32>
      %get3A_213 = arith.constant 64 : index
      %get3A_214 = tpu.vector_load %arg16[%get3A_213] {strides = array<i32>} : memref<128xf32, #tpu.memory_space<vmem>>, vector<16xf32>,
      %get3A_215 = vector.shape_cast %get3A_214 : vector<16xf32> to vector<16xf32>
      %add3A_216 = arith.addf %add3A_212, %get3A_215 : vector<16xf32>
      %get3A_217 = arith.constant 80 : index
      %get3A_218 = tpu.vector_load %arg16[%get3A_217] {strides = array<i32>} : memref<128xf32, #tpu.memory_space<vmem>>, vector<16xf32>,
      %get3A_219 = vector.shape_cast %get3A_218 : vector<16xf32> to vector<16xf32>
      %add3A_220 = arith.addf %add3A_216, %get3A_219 : vector<16xf32>
      %get3A_221 = arith.constant 96 : index
      %get3A_222 = tpu.vector_load %arg16[%get3A_221] {strides = array<i32>} : memref<128xf32, #tpu.memory_space<vmem>>, vector<16xf32>,
      %get3A_223 = vector.shape_cast %get3A_222 : vector<16xf32> to vector<16xf32>
      %add3A_224 = arith.addf %add3A_220, %get3A_223 : vector<16xf32>
      %get3A_225 = arith.constant 112 : index
      %get3A_226 = tpu.vector_load %arg16[%get3A_225] {strides = array<i32>} : memref<128xf32, #tpu.memory_space<vmem>>, vector<16xf32>,
      %get3A_227 = vector.shape_cast %get3A_226 : vector<16xf32> to vector<16xf32>
      %add3A_228 = arith.addf %add3A_224, %get3A_227 : vector<16xf32>
      %mul3A_229 = arith.constant 6.250000e-02 : f32
      %mul3A_230 = vector.broadcast %mul3A_229 : f32 to vector<16xf32>
      %mul3A_231 = arith.mulf %mul3A_230, %add3A_228 : vector<16xf32>
      %sub3A_232 = arith.subf %scan3A_140, %mul3A_231 : vector<16xf32>
      %swap3A_233 = arith.constant 0 : index
      %swap3A_234 = tpu.vector_load %arg12[%swap3A_233] {strides = array<i32>} : memref<16xf32, #tpu.memory_space<vmem>>, vector<16xf32>,
      %swap3A_235 = vector.shape_cast %swap3A_234 : vector<16xf32> to vector<16xf32>
      %swap3A_236 = vector.shape_cast %sub3A_232 : vector<16xf32> to vector<16xf32>
      tpu.vector_store %arg12[%swap3A_233], %swap3A_236 {strides = array<i32>} : memref<16xf32, #tpu.memory_space<vmem>>, vector<16xf32>,
    } else {
    }
    %ne3A = arith.constant 0 : i32
    %ne3A_147 = arith.cmpi ne, %arg0, %ne3A : i32
    %convert_element_type3A_148 = arith.extui %ne3A_147 : i1 to i32
    %cond3A_149 = arith.constant 0 : i32
    %cond3A_150 = arith.cmpi ne, %convert_element_type3A_148, %cond3A_149 : i32
    scf.if %cond3A_150 {
      %swap3A_155 = arith.constant 0 : index
      %swap3A_156 = tpu.vector_load %arg12[%swap3A_155] {strides = array<i32>} : memref<16xf32, #tpu.memory_space<vmem>>, vector<16xf32>,
      %swap3A_157 = vector.shape_cast %swap3A_156 : vector<16xf32> to vector<16xf32>
      %swap3A_158 = vector.shape_cast %scan3A_140 : vector<16xf32> to vector<16xf32>
      tpu.vector_store %arg12[%swap3A_155], %swap3A_158 {strides = array<i32>} : memref<16xf32, #tpu.memory_space<vmem>>, vector<16xf32>,
    } else {
    }
    "tpu.region"() ({
      %run_scoped3A = tpu.sem_alloc : memref<!tpu.dma_semaphore, #tpu.memory_space<semaphore_mem>>
      %dma_start3A_155 = arith.constant 0 : i32
      %dma_start3A_156 = tpu.memref_slice %arg6[%add3A, %dma_start3A_155] : memref<32x16xf32, #tpu.memory_space<hbm>> -> memref<1x16xf32, #tpu.memory_space<hbm>>
      %dma_start3A_157 = tpu.memref_squeeze %dma_start3A_156 : memref<1x16xf32, #tpu.memory_space<hbm>> -> memref<16xf32, #tpu.memory_space<hbm>>
      %dma_start3A_158 = arith.constant 0 : i32
      %dma_start3A_159 = tpu.memref_slice %arg6[%add3A, %dma_start3A_158] : memref<32x16xf32, #tpu.memory_space<hbm>> -> memref<1x16xf32, #tpu.memory_space<hbm>>
      %dma_start3A_160 = tpu.memref_squeeze %dma_start3A_159 : memref<1x16xf32, #tpu.memory_space<hbm>> -> memref<16xf32, #tpu.memory_space<hbm>>
      tpu.enqueue_dma source(%arg12 : memref<16xf32, #tpu.memory_space<vmem>>) target(%dma_start3A_160 : memref<16xf32, #tpu.memory_space<hbm>>) target_semaphore(%run_scoped3A : memref<!tpu.dma_semaphore, #tpu.memory_space<semaphore_mem>>)
      %dma_wait3A_161 = arith.constant 0 : i32
      %dma_wait3A_162 = tpu.memref_slice %arg6[%add3A, %dma_wait3A_161] : memref<32x16xf32, #tpu.memory_space<hbm>> -> memref<1x16xf32, #tpu.memory_space<hbm>>
      %dma_wait3A_163 = tpu.memref_squeeze %dma_wait3A_162 : memref<1x16xf32, #tpu.memory_space<hbm>> -> memref<16xf32, #tpu.memory_space<hbm>>
      %dma_wait3A_164 = arith.constant 0 : i32
      %dma_wait3A_165 = tpu.memref_slice %arg6[%add3A, %dma_wait3A_164] : memref<32x16xf32, #tpu.memory_space<hbm>> -> memref<1x16xf32, #tpu.memory_space<hbm>>
      %dma_wait3A_166 = tpu.memref_squeeze %dma_wait3A_165 : memref<1x16xf32, #tpu.memory_space<hbm>> -> memref<16xf32, #tpu.memory_space<hbm>>
      tpu.wait_dma2 semaphore(%run_scoped3A : memref<!tpu.dma_semaphore, #tpu.memory_space<semaphore_mem>>) src(%arg12 : memref<16xf32, #tpu.memory_space<vmem>>) dst(%dma_wait3A_166 : memref<16xf32, #tpu.memory_space<hbm>>)
      tpu.yield
    }) : () -> ()
    %dma_wait3A_151 = arith.constant 0 : i32
    %dma_wait3A_152 = tpu.memref_slice %arg5[%mul3A_2, %dma_wait3A_151] : memref<4096x128xf32, #tpu.memory_space<hbm>> -> memref<128x128xf32, #tpu.memory_space<hbm>>
    %dma_wait3A_153 = arith.constant 0 : i32
    %dma_wait3A_154 = tpu.memref_slice %arg5[%mul3A_2, %dma_wait3A_153] : memref<4096x128xf32, #tpu.memory_space<hbm>> -> memref<128x128xf32, #tpu.memory_space<hbm>>
    tpu.wait_dma2 semaphore(%arg22 : memref<!tpu.dma_semaphore, #tpu.memory_space<semaphore_mem>>) src(%arg10 : memref<128x128xf32, #tpu.memory_space<vmem>>) dst(%dma_wait3A_154 : memref<128x128xf32, #tpu.memory_space<hbm>>)
    return
  }
}

module attributes {stable_mosaic.version = 14 : i64} {
  func.func @_tc_loss_body(%arg0: i32, %arg1: memref<4096x128xf32, #tpu.memory_space<vmem>>, %arg2: memref<32x16xf32, #tpu.memory_space<vmem>>, %arg3: memref<1x1xf32, #tpu.memory_space<smem>>, %arg4: memref<4096x136xbf16, #tpu.memory_space<vmem>>, %arg5: memref<4096x136xbf16, #tpu.memory_space<vmem>>) attributes {dimension_semantics = [#tpu.dimension_semantics<arbitrary>], iteration_bounds = array<i64: 2>, scalar_prefetch = 0 : i64, scratch_operands = 2 : i64, tpu.core_type = #tpu.core_type<tc>, window_params = [{pipeline_mode = #tpu.pipeline_mode<synchronous>, transform_indices = @transform_0, window_bounds = array<i64: 4096, 128>}, {pipeline_mode = #tpu.pipeline_mode<synchronous>, transform_indices = @transform_1, window_bounds = array<i64: 32, 16>}, {transform_indices = @transform_2, window_bounds = array<i64: 1, 1>}]} {
    %eq3A = arith.constant 0 : i32
    %eq3A_0 = arith.cmpi eq, %arg0, %eq3A : i32
    %convert_element_type3A = arith.extui %eq3A_0 : i1 to i32
    %cond3A = arith.constant 0 : i32
    %cond3A_1 = arith.cmpi ne, %convert_element_type3A, %cond3A : i32
    scf.if %cond3A_1 {
      %get3A = arith.constant 0 : index
      %get3A_7 = arith.constant 0 : index
      %get3A_8 = vector.load %arg1[%get3A, %get3A_7] : memref<4096x128xf32, #tpu.memory_space<vmem>>, vector<4096x128xf32>
      %mul3A = arith.mulf %get3A_8, %get3A_8 : vector<4096x128xf32>
      %reduce_sum3A = arith.constant dense<0.000000e+00> : vector<4096xf32>
      %reduce_sum3A_9 = vector.multi_reduction <add>, %mul3A, %reduce_sum3A [1] : vector<4096x128xf32> to vector<4096xf32>
      %broadcast_in_dim3A = vector.shape_cast %reduce_sum3A_9 : vector<4096xf32> to vector<4096x1xf32>
      %sub3A = arith.constant 5.000000e-01 : f32
      %sub3A_10 = vector.broadcast %sub3A : f32 to vector<4096x1xf32>
      %sub3A_11 = arith.subf %sub3A_10, %broadcast_in_dim3A : vector<4096x1xf32>
      %mul3A_12 = arith.constant 1.41421354 : f32
      %mul3A_13 = vector.broadcast %mul3A_12 : f32 to vector<4096x128xf32>
      %mul3A_14 = arith.mulf %get3A_8, %mul3A_13 : vector<4096x128xf32>
      %broadcast_in_dim3A_15 = arith.constant 1.000000e+00 : f32
      %broadcast_in_dim3A_16 = vector.broadcast %broadcast_in_dim3A_15 : f32 to vector<4096x1xf32>
      %broadcast_in_dim3A_17 = arith.constant 0.000000e+00 : f32
      %broadcast_in_dim3A_18 = vector.broadcast %broadcast_in_dim3A_17 : f32 to vector<4096x6xf32>
      %concatenate3A = tpu.concatenate %mul3A_14, %sub3A_11, %broadcast_in_dim3A_16, %broadcast_in_dim3A_18 in 1 : vector<4096x128xf32>, vector<4096x1xf32>, vector<4096x1xf32>, vector<4096x6xf32> -> vector<4096x136xf32>
      %convert_element_type3A_19 = arith.truncf %concatenate3A : vector<4096x136xf32> to vector<4096x136xbf16>
      %swap3A = arith.constant 0 : index
      %swap3A_20 = arith.constant 0 : index
      %swap3A_21 = vector.load %arg4[%swap3A, %swap3A_20] : memref<4096x136xbf16, #tpu.memory_space<vmem>>, vector<4096x136xbf16>
      tpu.vector_store %arg4[%swap3A, %swap3A_20], %convert_element_type3A_19 {strides = array<i32>} : memref<4096x136xbf16, #tpu.memory_space<vmem>>, vector<4096x136xbf16>,
      %concatenate3A_22 = tpu.concatenate %mul3A_14, %broadcast_in_dim3A_16, %sub3A_11, %broadcast_in_dim3A_18 in 1 : vector<4096x128xf32>, vector<4096x1xf32>, vector<4096x1xf32>, vector<4096x6xf32> -> vector<4096x136xf32>
      %convert_element_type3A_23 = arith.truncf %concatenate3A_22 : vector<4096x136xf32> to vector<4096x136xbf16>
      %swap3A_24 = arith.constant 0 : index
      %swap3A_25 = arith.constant 0 : index
      %swap3A_26 = vector.load %arg5[%swap3A_24, %swap3A_25] : memref<4096x136xbf16, #tpu.memory_space<vmem>>, vector<4096x136xbf16>
      tpu.vector_store %arg5[%swap3A_24, %swap3A_25], %convert_element_type3A_23 {strides = array<i32>} : memref<4096x136xbf16, #tpu.memory_space<vmem>>, vector<4096x136xbf16>,
    } else {
    }
    %eq3A_2 = arith.constant 1 : i32
    %eq3A_3 = arith.cmpi eq, %arg0, %eq3A_2 : i32
    %convert_element_type3A_4 = arith.extui %eq3A_3 : i1 to i32
    %cond3A_5 = arith.constant 0 : i32
    %cond3A_6 = arith.cmpi ne, %convert_element_type3A_4, %cond3A_5 : i32
    scf.if %cond3A_6 {
      %get3A = arith.constant 0 : index
      %get3A_7 = arith.constant 0 : index
      %get3A_8 = vector.load %arg4[%get3A, %get3A_7] : memref<4096x136xbf16, #tpu.memory_space<vmem>>, vector<512x136xbf16>
      %get3A_9 = arith.constant 0 : index
      %get3A_10 = arith.constant 0 : index
      %get3A_11 = vector.load %arg5[%get3A_9, %get3A_10] : memref<4096x136xbf16, #tpu.memory_space<vmem>>, vector<512x136xbf16>
      %dot_general3A = arith.constant dense<0.000000e+00> : vector<512x512xf32>
      %dot_general3A_12 = tpu.matmul %get3A_8, %get3A_11, %dot_general3A {dimension_numbers = #tpu.dot_dimension_numbers<[1], [1], [0], [0], [0, 0, 1, 0], [], []>, transpose_lhs_hint = false} : vector<512x136xbf16>, vector<512x136xbf16>, vector<512x512xf32> -> vector<512x512xf32>
      %max3A = arith.constant 0.000000e+00 : f32
      %max3A_13 = vector.broadcast %max3A : f32 to vector<512x512xf32>
      %max3A_14 = arith.maximumf %max3A_13, %dot_general3A_12 : vector<512x512xf32>
      %reduce_sum3A = arith.constant dense<0.000000e+00> : vector<512xf32>
      %reduce_sum3A_15 = vector.multi_reduction <add>, %max3A_14, %reduce_sum3A [0] : vector<512x512xf32> to vector<512xf32>
      %broadcast_in_dim3A = vector.shape_cast %reduce_sum3A_15 : vector<512xf32> to vector<1x512xf32>
      %mul3A = arith.constant 6.250000e-02 : f32
      %mul3A_16 = vector.broadcast %mul3A : f32 to vector<1x512xf32>
      %mul3A_17 = arith.mulf %mul3A_16, %broadcast_in_dim3A : vector<1x512xf32>
      %get3A_18 = arith.constant 0 : index
      %get3A_19 = arith.constant 0 : index
      %get3A_20 = vector.load %arg4[%get3A_18, %get3A_19] : memref<4096x136xbf16, #tpu.memory_space<vmem>>, vector<512x136xbf16>
      %get3A_21 = arith.constant 512 : index
      %get3A_22 = arith.constant 0 : index
      %get3A_23 = vector.load %arg5[%get3A_21, %get3A_22] : memref<4096x136xbf16, #tpu.memory_space<vmem>>, vector<512x136xbf16>
      %dot_general3A_24 = arith.constant dense<0.000000e+00> : vector<512x512xf32>
      %dot_general3A_25 = tpu.matmul %get3A_20, %get3A_23, %dot_general3A_24 {dimension_numbers = #tpu.dot_dimension_numbers<[1], [1], [0], [0], [0, 0, 1, 0], [], []>, transpose_lhs_hint = false} : vector<512x136xbf16>, vector<512x136xbf16>, vector<512x512xf32> -> vector<512x512xf32>
      %max3A_26 = arith.constant 0.000000e+00 : f32
      %max3A_27 = vector.broadcast %max3A_26 : f32 to vector<512x512xf32>
      %max3A_28 = arith.maximumf %max3A_27, %dot_general3A_25 : vector<512x512xf32>
      %reduce_sum3A_29 = arith.constant dense<0.000000e+00> : vector<512xf32>
      %reduce_sum3A_30 = vector.multi_reduction <add>, %max3A_28, %reduce_sum3A_29 [0] : vector<512x512xf32> to vector<512xf32>
      %broadcast_in_dim3A_31 = vector.shape_cast %reduce_sum3A_30 : vector<512xf32> to vector<1x512xf32>
      %mul3A_32 = arith.constant 1.250000e-01 : f32
      %mul3A_33 = vector.broadcast %mul3A_32 : f32 to vector<1x512xf32>
      %mul3A_34 = arith.mulf %mul3A_33, %broadcast_in_dim3A_31 : vector<1x512xf32>
      %get3A_35 = arith.constant 0 : index
      %get3A_36 = arith.constant 0 : index
      %get3A_37 = vector.load %arg4[%get3A_35, %get3A_36] : memref<4096x136xbf16, #tpu.memory_space<vmem>>, vector<512x136xbf16>
      %get3A_38 = arith.constant 1024 : index
      %get3A_39 = arith.constant 0 : index
      %get3A_40 = vector.load %arg5[%get3A_38, %get3A_39] : memref<4096x136xbf16, #tpu.memory_space<vmem>>, vector<512x136xbf16>
      %dot_general3A_41 = arith.constant dense<0.000000e+00> : vector<512x512xf32>
      %dot_general3A_42 = tpu.matmul %get3A_37, %get3A_40, %dot_general3A_41 {dimension_numbers = #tpu.dot_dimension_numbers<[1], [1], [0], [0], [0, 0, 1, 0], [], []>, transpose_lhs_hint = false} : vector<512x136xbf16>, vector<512x136xbf16>, vector<512x512xf32> -> vector<512x512xf32>
      %max3A_43 = arith.constant 0.000000e+00 : f32
      %max3A_44 = vector.broadcast %max3A_43 : f32 to vector<512x512xf32>
      %max3A_45 = arith.maximumf %max3A_44, %dot_general3A_42 : vector<512x512xf32>
      %reduce_sum3A_46 = arith.constant dense<0.000000e+00> : vector<512xf32>
      %reduce_sum3A_47 = vector.multi_reduction <add>, %max3A_45, %reduce_sum3A_46 [0] : vector<512x512xf32> to vector<512xf32>
      %broadcast_in_dim3A_48 = vector.shape_cast %reduce_sum3A_47 : vector<512xf32> to vector<1x512xf32>
      %mul3A_49 = arith.constant 1.250000e-01 : f32
      %mul3A_50 = vector.broadcast %mul3A_49 : f32 to vector<1x512xf32>
      %mul3A_51 = arith.mulf %mul3A_50, %broadcast_in_dim3A_48 : vector<1x512xf32>
      %get3A_52 = arith.constant 0 : index
      %get3A_53 = arith.constant 0 : index
      %get3A_54 = vector.load %arg4[%get3A_52, %get3A_53] : memref<4096x136xbf16, #tpu.memory_space<vmem>>, vector<512x136xbf16>
      %get3A_55 = arith.constant 1536 : index
      %get3A_56 = arith.constant 0 : index
      %get3A_57 = vector.load %arg5[%get3A_55, %get3A_56] : memref<4096x136xbf16, #tpu.memory_space<vmem>>, vector<512x136xbf16>
      %dot_general3A_58 = arith.constant dense<0.000000e+00> : vector<512x512xf32>
      %dot_general3A_59 = tpu.matmul %get3A_54, %get3A_57, %dot_general3A_58 {dimension_numbers = #tpu.dot_dimension_numbers<[1], [1], [0], [0], [0, 0, 1, 0], [], []>, transpose_lhs_hint = false} : vector<512x136xbf16>, vector<512x136xbf16>, vector<512x512xf32> -> vector<512x512xf32>
      %max3A_60 = arith.constant 0.000000e+00 : f32
      %max3A_61 = vector.broadcast %max3A_60 : f32 to vector<512x512xf32>
      %max3A_62 = arith.maximumf %max3A_61, %dot_general3A_59 : vector<512x512xf32>
      %reduce_sum3A_63 = arith.constant dense<0.000000e+00> : vector<512xf32>
      %reduce_sum3A_64 = vector.multi_reduction <add>, %max3A_62, %reduce_sum3A_63 [0] : vector<512x512xf32> to vector<512xf32>
      %broadcast_in_dim3A_65 = vector.shape_cast %reduce_sum3A_64 : vector<512xf32> to vector<1x512xf32>
      %mul3A_66 = arith.constant 1.250000e-01 : f32
      %mul3A_67 = vector.broadcast %mul3A_66 : f32 to vector<1x512xf32>
      %mul3A_68 = arith.mulf %mul3A_67, %broadcast_in_dim3A_65 : vector<1x512xf32>
      %get3A_69 = arith.constant 0 : index
      %get3A_70 = arith.constant 0 : index
      %get3A_71 = vector.load %arg4[%get3A_69, %get3A_70] : memref<4096x136xbf16, #tpu.memory_space<vmem>>, vector<512x136xbf16>
      %get3A_72 = arith.constant 2048 : index
      %get3A_73 = arith.constant 0 : index
      %get3A_74 = vector.load %arg5[%get3A_72, %get3A_73] : memref<4096x136xbf16, #tpu.memory_space<vmem>>, vector<512x136xbf16>
      %dot_general3A_75 = arith.constant dense<0.000000e+00> : vector<512x512xf32>
      %dot_general3A_76 = tpu.matmul %get3A_71, %get3A_74, %dot_general3A_75 {dimension_numbers = #tpu.dot_dimension_numbers<[1], [1], [0], [0], [0, 0, 1, 0], [], []>, transpose_lhs_hint = false} : vector<512x136xbf16>, vector<512x136xbf16>, vector<512x512xf32> -> vector<512x512xf32>
      %max3A_77 = arith.constant 0.000000e+00 : f32
      %max3A_78 = vector.broadcast %max3A_77 : f32 to vector<512x512xf32>
      %max3A_79 = arith.maximumf %max3A_78, %dot_general3A_76 : vector<512x512xf32>
      %reduce_sum3A_80 = arith.constant dense<0.000000e+00> : vector<512xf32>
      %reduce_sum3A_81 = vector.multi_reduction <add>, %max3A_79, %reduce_sum3A_80 [0] : vector<512x512xf32> to vector<512xf32>
      %broadcast_in_dim3A_82 = vector.shape_cast %reduce_sum3A_81 : vector<512xf32> to vector<1x512xf32>
      %mul3A_83 = arith.constant 1.250000e-01 : f32
      %mul3A_84 = vector.broadcast %mul3A_83 : f32 to vector<1x512xf32>
      %mul3A_85 = arith.mulf %mul3A_84, %broadcast_in_dim3A_82 : vector<1x512xf32>
      %get3A_86 = arith.constant 0 : index
      %get3A_87 = arith.constant 0 : index
      %get3A_88 = vector.load %arg4[%get3A_86, %get3A_87] : memref<4096x136xbf16, #tpu.memory_space<vmem>>, vector<512x136xbf16>
      %get3A_89 = arith.constant 2560 : index
      %get3A_90 = arith.constant 0 : index
      %get3A_91 = vector.load %arg5[%get3A_89, %get3A_90] : memref<4096x136xbf16, #tpu.memory_space<vmem>>, vector<512x136xbf16>
      %dot_general3A_92 = arith.constant dense<0.000000e+00> : vector<512x512xf32>
      %dot_general3A_93 = tpu.matmul %get3A_88, %get3A_91, %dot_general3A_92 {dimension_numbers = #tpu.dot_dimension_numbers<[1], [1], [0], [0], [0, 0, 1, 0], [], []>, transpose_lhs_hint = false} : vector<512x136xbf16>, vector<512x136xbf16>, vector<512x512xf32> -> vector<512x512xf32>
      %max3A_94 = arith.constant 0.000000e+00 : f32
      %max3A_95 = vector.broadcast %max3A_94 : f32 to vector<512x512xf32>
      %max3A_96 = arith.maximumf %max3A_95, %dot_general3A_93 : vector<512x512xf32>
      %reduce_sum3A_97 = arith.constant dense<0.000000e+00> : vector<512xf32>
      %reduce_sum3A_98 = vector.multi_reduction <add>, %max3A_96, %reduce_sum3A_97 [0] : vector<512x512xf32> to vector<512xf32>
      %broadcast_in_dim3A_99 = vector.shape_cast %reduce_sum3A_98 : vector<512xf32> to vector<1x512xf32>
      %mul3A_100 = arith.constant 1.250000e-01 : f32
      %mul3A_101 = vector.broadcast %mul3A_100 : f32 to vector<1x512xf32>
      %mul3A_102 = arith.mulf %mul3A_101, %broadcast_in_dim3A_99 : vector<1x512xf32>
      %get3A_103 = arith.constant 0 : index
      %get3A_104 = arith.constant 0 : index
      %get3A_105 = vector.load %arg4[%get3A_103, %get3A_104] : memref<4096x136xbf16, #tpu.memory_space<vmem>>, vector<512x136xbf16>
      %get3A_106 = arith.constant 3072 : index
      %get3A_107 = arith.constant 0 : index
      %get3A_108 = vector.load %arg5[%get3A_106, %get3A_107] : memref<4096x136xbf16, #tpu.memory_space<vmem>>, vector<512x136xbf16>
      %dot_general3A_109 = arith.constant dense<0.000000e+00> : vector<512x512xf32>
      %dot_general3A_110 = tpu.matmul %get3A_105, %get3A_108, %dot_general3A_109 {dimension_numbers = #tpu.dot_dimension_numbers<[1], [1], [0], [0], [0, 0, 1, 0], [], []>, transpose_lhs_hint = false} : vector<512x136xbf16>, vector<512x136xbf16>, vector<512x512xf32> -> vector<512x512xf32>
      %max3A_111 = arith.constant 0.000000e+00 : f32
      %max3A_112 = vector.broadcast %max3A_111 : f32 to vector<512x512xf32>
      %max3A_113 = arith.maximumf %max3A_112, %dot_general3A_110 : vector<512x512xf32>
      %reduce_sum3A_114 = arith.constant dense<0.000000e+00> : vector<512xf32>
      %reduce_sum3A_115 = vector.multi_reduction <add>, %max3A_113, %reduce_sum3A_114 [0] : vector<512x512xf32> to vector<512xf32>
      %broadcast_in_dim3A_116 = vector.shape_cast %reduce_sum3A_115 : vector<512xf32> to vector<1x512xf32>
      %mul3A_117 = arith.constant 1.250000e-01 : f32
      %mul3A_118 = vector.broadcast %mul3A_117 : f32 to vector<1x512xf32>
      %mul3A_119 = arith.mulf %mul3A_118, %broadcast_in_dim3A_116 : vector<1x512xf32>
      %get3A_120 = arith.constant 0 : index
      %get3A_121 = arith.constant 0 : index
      %get3A_122 = vector.load %arg4[%get3A_120, %get3A_121] : memref<4096x136xbf16, #tpu.memory_space<vmem>>, vector<512x136xbf16>
      %get3A_123 = arith.constant 3584 : index
      %get3A_124 = arith.constant 0 : index
      %get3A_125 = vector.load %arg5[%get3A_123, %get3A_124] : memref<4096x136xbf16, #tpu.memory_space<vmem>>, vector<512x136xbf16>
      %dot_general3A_126 = arith.constant dense<0.000000e+00> : vector<512x512xf32>
      %dot_general3A_127 = tpu.matmul %get3A_122, %get3A_125, %dot_general3A_126 {dimension_numbers = #tpu.dot_dimension_numbers<[1], [1], [0], [0], [0, 0, 1, 0], [], []>, transpose_lhs_hint = false} : vector<512x136xbf16>, vector<512x136xbf16>, vector<512x512xf32> -> vector<512x512xf32>
      %max3A_128 = arith.constant 0.000000e+00 : f32
      %max3A_129 = vector.broadcast %max3A_128 : f32 to vector<512x512xf32>
      %max3A_130 = arith.maximumf %max3A_129, %dot_general3A_127 : vector<512x512xf32>
      %reduce_sum3A_131 = arith.constant dense<0.000000e+00> : vector<512xf32>
      %reduce_sum3A_132 = vector.multi_reduction <add>, %max3A_130, %reduce_sum3A_131 [0] : vector<512x512xf32> to vector<512xf32>
      %broadcast_in_dim3A_133 = vector.shape_cast %reduce_sum3A_132 : vector<512xf32> to vector<1x512xf32>
      %mul3A_134 = arith.constant 1.250000e-01 : f32
      %mul3A_135 = vector.broadcast %mul3A_134 : f32 to vector<1x512xf32>
      %mul3A_136 = arith.mulf %mul3A_135, %broadcast_in_dim3A_133 : vector<1x512xf32>
      %get3A_137 = arith.constant 512 : index
      %get3A_138 = arith.constant 0 : index
      %get3A_139 = vector.load %arg4[%get3A_137, %get3A_138] : memref<4096x136xbf16, #tpu.memory_space<vmem>>, vector<512x136xbf16>
      %get3A_140 = arith.constant 512 : index
      %get3A_141 = arith.constant 0 : index
      %get3A_142 = vector.load %arg5[%get3A_140, %get3A_141] : memref<4096x136xbf16, #tpu.memory_space<vmem>>, vector<512x136xbf16>
      %dot_general3A_143 = arith.constant dense<0.000000e+00> : vector<512x512xf32>
      %dot_general3A_144 = tpu.matmul %get3A_139, %get3A_142, %dot_general3A_143 {dimension_numbers = #tpu.dot_dimension_numbers<[1], [1], [0], [0], [0, 0, 1, 0], [], []>, transpose_lhs_hint = false} : vector<512x136xbf16>, vector<512x136xbf16>, vector<512x512xf32> -> vector<512x512xf32>
      %max3A_145 = arith.constant 0.000000e+00 : f32
      %max3A_146 = vector.broadcast %max3A_145 : f32 to vector<512x512xf32>
      %max3A_147 = arith.maximumf %max3A_146, %dot_general3A_144 : vector<512x512xf32>
      %reduce_sum3A_148 = arith.constant dense<0.000000e+00> : vector<512xf32>
      %reduce_sum3A_149 = vector.multi_reduction <add>, %max3A_147, %reduce_sum3A_148 [0] : vector<512x512xf32> to vector<512xf32>
      %broadcast_in_dim3A_150 = vector.shape_cast %reduce_sum3A_149 : vector<512xf32> to vector<1x512xf32>
      %mul3A_151 = arith.constant 6.250000e-02 : f32
      %mul3A_152 = vector.broadcast %mul3A_151 : f32 to vector<1x512xf32>
      %mul3A_153 = arith.mulf %mul3A_152, %broadcast_in_dim3A_150 : vector<1x512xf32>
      %get3A_154 = arith.constant 512 : index
      %get3A_155 = arith.constant 0 : index
      %get3A_156 = vector.load %arg4[%get3A_154, %get3A_155] : memref<4096x136xbf16, #tpu.memory_space<vmem>>, vector<512x136xbf16>
      %get3A_157 = arith.constant 1024 : index
      %get3A_158 = arith.constant 0 : index
      %get3A_159 = vector.load %arg5[%get3A_157, %get3A_158] : memref<4096x136xbf16, #tpu.memory_space<vmem>>, vector<512x136xbf16>
      %dot_general3A_160 = arith.constant dense<0.000000e+00> : vector<512x512xf32>
      %dot_general3A_161 = tpu.matmul %get3A_156, %get3A_159, %dot_general3A_160 {dimension_numbers = #tpu.dot_dimension_numbers<[1], [1], [0], [0], [0, 0, 1, 0], [], []>, transpose_lhs_hint = false} : vector<512x136xbf16>, vector<512x136xbf16>, vector<512x512xf32> -> vector<512x512xf32>
      %max3A_162 = arith.constant 0.000000e+00 : f32
      %max3A_163 = vector.broadcast %max3A_162 : f32 to vector<512x512xf32>
      %max3A_164 = arith.maximumf %max3A_163, %dot_general3A_161 : vector<512x512xf32>
      %reduce_sum3A_165 = arith.constant dense<0.000000e+00> : vector<512xf32>
      %reduce_sum3A_166 = vector.multi_reduction <add>, %max3A_164, %reduce_sum3A_165 [0] : vector<512x512xf32> to vector<512xf32>
      %broadcast_in_dim3A_167 = vector.shape_cast %reduce_sum3A_166 : vector<512xf32> to vector<1x512xf32>
      %mul3A_168 = arith.constant 1.250000e-01 : f32
      %mul3A_169 = vector.broadcast %mul3A_168 : f32 to vector<1x512xf32>
      %mul3A_170 = arith.mulf %mul3A_169, %broadcast_in_dim3A_167 : vector<1x512xf32>
      %get3A_171 = arith.constant 512 : index
      %get3A_172 = arith.constant 0 : index
      %get3A_173 = vector.load %arg4[%get3A_171, %get3A_172] : memref<4096x136xbf16, #tpu.memory_space<vmem>>, vector<512x136xbf16>
      %get3A_174 = arith.constant 1536 : index
      %get3A_175 = arith.constant 0 : index
      %get3A_176 = vector.load %arg5[%get3A_174, %get3A_175] : memref<4096x136xbf16, #tpu.memory_space<vmem>>, vector<512x136xbf16>
      %dot_general3A_177 = arith.constant dense<0.000000e+00> : vector<512x512xf32>
      %dot_general3A_178 = tpu.matmul %get3A_173, %get3A_176, %dot_general3A_177 {dimension_numbers = #tpu.dot_dimension_numbers<[1], [1], [0], [0], [0, 0, 1, 0], [], []>, transpose_lhs_hint = false} : vector<512x136xbf16>, vector<512x136xbf16>, vector<512x512xf32> -> vector<512x512xf32>
      %max3A_179 = arith.constant 0.000000e+00 : f32
      %max3A_180 = vector.broadcast %max3A_179 : f32 to vector<512x512xf32>
      %max3A_181 = arith.maximumf %max3A_180, %dot_general3A_178 : vector<512x512xf32>
      %reduce_sum3A_182 = arith.constant dense<0.000000e+00> : vector<512xf32>
      %reduce_sum3A_183 = vector.multi_reduction <add>, %max3A_181, %reduce_sum3A_182 [0] : vector<512x512xf32> to vector<512xf32>
      %broadcast_in_dim3A_184 = vector.shape_cast %reduce_sum3A_183 : vector<512xf32> to vector<1x512xf32>
      %mul3A_185 = arith.constant 1.250000e-01 : f32
      %mul3A_186 = vector.broadcast %mul3A_185 : f32 to vector<1x512xf32>
      %mul3A_187 = arith.mulf %mul3A_186, %broadcast_in_dim3A_184 : vector<1x512xf32>
      %get3A_188 = arith.constant 512 : index
      %get3A_189 = arith.constant 0 : index
      %get3A_190 = vector.load %arg4[%get3A_188, %get3A_189] : memref<4096x136xbf16, #tpu.memory_space<vmem>>, vector<512x136xbf16>
      %get3A_191 = arith.constant 2048 : index
      %get3A_192 = arith.constant 0 : index
      %get3A_193 = vector.load %arg5[%get3A_191, %get3A_192] : memref<4096x136xbf16, #tpu.memory_space<vmem>>, vector<512x136xbf16>
      %dot_general3A_194 = arith.constant dense<0.000000e+00> : vector<512x512xf32>
      %dot_general3A_195 = tpu.matmul %get3A_190, %get3A_193, %dot_general3A_194 {dimension_numbers = #tpu.dot_dimension_numbers<[1], [1], [0], [0], [0, 0, 1, 0], [], []>, transpose_lhs_hint = false} : vector<512x136xbf16>, vector<512x136xbf16>, vector<512x512xf32> -> vector<512x512xf32>
      %max3A_196 = arith.constant 0.000000e+00 : f32
      %max3A_197 = vector.broadcast %max3A_196 : f32 to vector<512x512xf32>
      %max3A_198 = arith.maximumf %max3A_197, %dot_general3A_195 : vector<512x512xf32>
      %reduce_sum3A_199 = arith.constant dense<0.000000e+00> : vector<512xf32>
      %reduce_sum3A_200 = vector.multi_reduction <add>, %max3A_198, %reduce_sum3A_199 [0] : vector<512x512xf32> to vector<512xf32>
      %broadcast_in_dim3A_201 = vector.shape_cast %reduce_sum3A_200 : vector<512xf32> to vector<1x512xf32>
      %mul3A_202 = arith.constant 1.250000e-01 : f32
      %mul3A_203 = vector.broadcast %mul3A_202 : f32 to vector<1x512xf32>
      %mul3A_204 = arith.mulf %mul3A_203, %broadcast_in_dim3A_201 : vector<1x512xf32>
      %get3A_205 = arith.constant 512 : index
      %get3A_206 = arith.constant 0 : index
      %get3A_207 = vector.load %arg4[%get3A_205, %get3A_206] : memref<4096x136xbf16, #tpu.memory_space<vmem>>, vector<512x136xbf16>
      %get3A_208 = arith.constant 2560 : index
      %get3A_209 = arith.constant 0 : index
      %get3A_210 = vector.load %arg5[%get3A_208, %get3A_209] : memref<4096x136xbf16, #tpu.memory_space<vmem>>, vector<512x136xbf16>
      %dot_general3A_211 = arith.constant dense<0.000000e+00> : vector<512x512xf32>
      %dot_general3A_212 = tpu.matmul %get3A_207, %get3A_210, %dot_general3A_211 {dimension_numbers = #tpu.dot_dimension_numbers<[1], [1], [0], [0], [0, 0, 1, 0], [], []>, transpose_lhs_hint = false} : vector<512x136xbf16>, vector<512x136xbf16>, vector<512x512xf32> -> vector<512x512xf32>
      %max3A_213 = arith.constant 0.000000e+00 : f32
      %max3A_214 = vector.broadcast %max3A_213 : f32 to vector<512x512xf32>
      %max3A_215 = arith.maximumf %max3A_214, %dot_general3A_212 : vector<512x512xf32>
      %reduce_sum3A_216 = arith.constant dense<0.000000e+00> : vector<512xf32>
      %reduce_sum3A_217 = vector.multi_reduction <add>, %max3A_215, %reduce_sum3A_216 [0] : vector<512x512xf32> to vector<512xf32>
      %broadcast_in_dim3A_218 = vector.shape_cast %reduce_sum3A_217 : vector<512xf32> to vector<1x512xf32>
      %mul3A_219 = arith.constant 1.250000e-01 : f32
      %mul3A_220 = vector.broadcast %mul3A_219 : f32 to vector<1x512xf32>
      %mul3A_221 = arith.mulf %mul3A_220, %broadcast_in_dim3A_218 : vector<1x512xf32>
      %get3A_222 = arith.constant 512 : index
      %get3A_223 = arith.constant 0 : index
      %get3A_224 = vector.load %arg4[%get3A_222, %get3A_223] : memref<4096x136xbf16, #tpu.memory_space<vmem>>, vector<512x136xbf16>
      %get3A_225 = arith.constant 3072 : index
      %get3A_226 = arith.constant 0 : index
      %get3A_227 = vector.load %arg5[%get3A_225, %get3A_226] : memref<4096x136xbf16, #tpu.memory_space<vmem>>, vector<512x136xbf16>
      %dot_general3A_228 = arith.constant dense<0.000000e+00> : vector<512x512xf32>
      %dot_general3A_229 = tpu.matmul %get3A_224, %get3A_227, %dot_general3A_228 {dimension_numbers = #tpu.dot_dimension_numbers<[1], [1], [0], [0], [0, 0, 1, 0], [], []>, transpose_lhs_hint = false} : vector<512x136xbf16>, vector<512x136xbf16>, vector<512x512xf32> -> vector<512x512xf32>
      %max3A_230 = arith.constant 0.000000e+00 : f32
      %max3A_231 = vector.broadcast %max3A_230 : f32 to vector<512x512xf32>
      %max3A_232 = arith.maximumf %max3A_231, %dot_general3A_229 : vector<512x512xf32>
      %reduce_sum3A_233 = arith.constant dense<0.000000e+00> : vector<512xf32>
      %reduce_sum3A_234 = vector.multi_reduction <add>, %max3A_232, %reduce_sum3A_233 [0] : vector<512x512xf32> to vector<512xf32>
      %broadcast_in_dim3A_235 = vector.shape_cast %reduce_sum3A_234 : vector<512xf32> to vector<1x512xf32>
      %mul3A_236 = arith.constant 1.250000e-01 : f32
      %mul3A_237 = vector.broadcast %mul3A_236 : f32 to vector<1x512xf32>
      %mul3A_238 = arith.mulf %mul3A_237, %broadcast_in_dim3A_235 : vector<1x512xf32>
      %get3A_239 = arith.constant 512 : index
      %get3A_240 = arith.constant 0 : index
      %get3A_241 = vector.load %arg4[%get3A_239, %get3A_240] : memref<4096x136xbf16, #tpu.memory_space<vmem>>, vector<512x136xbf16>
      %get3A_242 = arith.constant 3584 : index
      %get3A_243 = arith.constant 0 : index
      %get3A_244 = vector.load %arg5[%get3A_242, %get3A_243] : memref<4096x136xbf16, #tpu.memory_space<vmem>>, vector<512x136xbf16>
      %dot_general3A_245 = arith.constant dense<0.000000e+00> : vector<512x512xf32>
      %dot_general3A_246 = tpu.matmul %get3A_241, %get3A_244, %dot_general3A_245 {dimension_numbers = #tpu.dot_dimension_numbers<[1], [1], [0], [0], [0, 0, 1, 0], [], []>, transpose_lhs_hint = false} : vector<512x136xbf16>, vector<512x136xbf16>, vector<512x512xf32> -> vector<512x512xf32>
      %max3A_247 = arith.constant 0.000000e+00 : f32
      %max3A_248 = vector.broadcast %max3A_247 : f32 to vector<512x512xf32>
      %max3A_249 = arith.maximumf %max3A_248, %dot_general3A_246 : vector<512x512xf32>
      %reduce_sum3A_250 = arith.constant dense<0.000000e+00> : vector<512xf32>
      %reduce_sum3A_251 = vector.multi_reduction <add>, %max3A_249, %reduce_sum3A_250 [0] : vector<512x512xf32> to vector<512xf32>
      %broadcast_in_dim3A_252 = vector.shape_cast %reduce_sum3A_251 : vector<512xf32> to vector<1x512xf32>
      %mul3A_253 = arith.constant 1.250000e-01 : f32
      %mul3A_254 = vector.broadcast %mul3A_253 : f32 to vector<1x512xf32>
      %mul3A_255 = arith.mulf %mul3A_254, %broadcast_in_dim3A_252 : vector<1x512xf32>
      %get3A_256 = arith.constant 1024 : index
      %get3A_257 = arith.constant 0 : index
      %get3A_258 = vector.load %arg4[%get3A_256, %get3A_257] : memref<4096x136xbf16, #tpu.memory_space<vmem>>, vector<512x136xbf16>
      %get3A_259 = arith.constant 1024 : index
      %get3A_260 = arith.constant 0 : index
      %get3A_261 = vector.load %arg5[%get3A_259, %get3A_260] : memref<4096x136xbf16, #tpu.memory_space<vmem>>, vector<512x136xbf16>
      %dot_general3A_262 = arith.constant dense<0.000000e+00> : vector<512x512xf32>
      %dot_general3A_263 = tpu.matmul %get3A_258, %get3A_261, %dot_general3A_262 {dimension_numbers = #tpu.dot_dimension_numbers<[1], [1], [0], [0], [0, 0, 1, 0], [], []>, transpose_lhs_hint = false} : vector<512x136xbf16>, vector<512x136xbf16>, vector<512x512xf32> -> vector<512x512xf32>
      %max3A_264 = arith.constant 0.000000e+00 : f32
      %max3A_265 = vector.broadcast %max3A_264 : f32 to vector<512x512xf32>
      %max3A_266 = arith.maximumf %max3A_265, %dot_general3A_263 : vector<512x512xf32>
      %reduce_sum3A_267 = arith.constant dense<0.000000e+00> : vector<512xf32>
      %reduce_sum3A_268 = vector.multi_reduction <add>, %max3A_266, %reduce_sum3A_267 [0] : vector<512x512xf32> to vector<512xf32>
      %broadcast_in_dim3A_269 = vector.shape_cast %reduce_sum3A_268 : vector<512xf32> to vector<1x512xf32>
      %mul3A_270 = arith.constant 6.250000e-02 : f32
      %mul3A_271 = vector.broadcast %mul3A_270 : f32 to vector<1x512xf32>
      %mul3A_272 = arith.mulf %mul3A_271, %broadcast_in_dim3A_269 : vector<1x512xf32>
      %get3A_273 = arith.constant 1024 : index
      %get3A_274 = arith.constant 0 : index
      %get3A_275 = vector.load %arg4[%get3A_273, %get3A_274] : memref<4096x136xbf16, #tpu.memory_space<vmem>>, vector<512x136xbf16>
      %get3A_276 = arith.constant 1536 : index
      %get3A_277 = arith.constant 0 : index
      %get3A_278 = vector.load %arg5[%get3A_276, %get3A_277] : memref<4096x136xbf16, #tpu.memory_space<vmem>>, vector<512x136xbf16>
      %dot_general3A_279 = arith.constant dense<0.000000e+00> : vector<512x512xf32>
      %dot_general3A_280 = tpu.matmul %get3A_275, %get3A_278, %dot_general3A_279 {dimension_numbers = #tpu.dot_dimension_numbers<[1], [1], [0], [0], [0, 0, 1, 0], [], []>, transpose_lhs_hint = false} : vector<512x136xbf16>, vector<512x136xbf16>, vector<512x512xf32> -> vector<512x512xf32>
      %max3A_281 = arith.constant 0.000000e+00 : f32
      %max3A_282 = vector.broadcast %max3A_281 : f32 to vector<512x512xf32>
      %max3A_283 = arith.maximumf %max3A_282, %dot_general3A_280 : vector<512x512xf32>
      %reduce_sum3A_284 = arith.constant dense<0.000000e+00> : vector<512xf32>
      %reduce_sum3A_285 = vector.multi_reduction <add>, %max3A_283, %reduce_sum3A_284 [0] : vector<512x512xf32> to vector<512xf32>
      %broadcast_in_dim3A_286 = vector.shape_cast %reduce_sum3A_285 : vector<512xf32> to vector<1x512xf32>
      %mul3A_287 = arith.constant 1.250000e-01 : f32
      %mul3A_288 = vector.broadcast %mul3A_287 : f32 to vector<1x512xf32>
      %mul3A_289 = arith.mulf %mul3A_288, %broadcast_in_dim3A_286 : vector<1x512xf32>
      %get3A_290 = arith.constant 1024 : index
      %get3A_291 = arith.constant 0 : index
      %get3A_292 = vector.load %arg4[%get3A_290, %get3A_291] : memref<4096x136xbf16, #tpu.memory_space<vmem>>, vector<512x136xbf16>
      %get3A_293 = arith.constant 2048 : index
      %get3A_294 = arith.constant 0 : index
      %get3A_295 = vector.load %arg5[%get3A_293, %get3A_294] : memref<4096x136xbf16, #tpu.memory_space<vmem>>, vector<512x136xbf16>
      %dot_general3A_296 = arith.constant dense<0.000000e+00> : vector<512x512xf32>
      %dot_general3A_297 = tpu.matmul %get3A_292, %get3A_295, %dot_general3A_296 {dimension_numbers = #tpu.dot_dimension_numbers<[1], [1], [0], [0], [0, 0, 1, 0], [], []>, transpose_lhs_hint = false} : vector<512x136xbf16>, vector<512x136xbf16>, vector<512x512xf32> -> vector<512x512xf32>
      %max3A_298 = arith.constant 0.000000e+00 : f32
      %max3A_299 = vector.broadcast %max3A_298 : f32 to vector<512x512xf32>
      %max3A_300 = arith.maximumf %max3A_299, %dot_general3A_297 : vector<512x512xf32>
      %reduce_sum3A_301 = arith.constant dense<0.000000e+00> : vector<512xf32>
      %reduce_sum3A_302 = vector.multi_reduction <add>, %max3A_300, %reduce_sum3A_301 [0] : vector<512x512xf32> to vector<512xf32>
      %broadcast_in_dim3A_303 = vector.shape_cast %reduce_sum3A_302 : vector<512xf32> to vector<1x512xf32>
      %mul3A_304 = arith.constant 1.250000e-01 : f32
      %mul3A_305 = vector.broadcast %mul3A_304 : f32 to vector<1x512xf32>
      %mul3A_306 = arith.mulf %mul3A_305, %broadcast_in_dim3A_303 : vector<1x512xf32>
      %get3A_307 = arith.constant 1024 : index
      %get3A_308 = arith.constant 0 : index
      %get3A_309 = vector.load %arg4[%get3A_307, %get3A_308] : memref<4096x136xbf16, #tpu.memory_space<vmem>>, vector<512x136xbf16>
      %get3A_310 = arith.constant 2560 : index
      %get3A_311 = arith.constant 0 : index
      %get3A_312 = vector.load %arg5[%get3A_310, %get3A_311] : memref<4096x136xbf16, #tpu.memory_space<vmem>>, vector<512x136xbf16>
      %dot_general3A_313 = arith.constant dense<0.000000e+00> : vector<512x512xf32>
      %dot_general3A_314 = tpu.matmul %get3A_309, %get3A_312, %dot_general3A_313 {dimension_numbers = #tpu.dot_dimension_numbers<[1], [1], [0], [0], [0, 0, 1, 0], [], []>, transpose_lhs_hint = false} : vector<512x136xbf16>, vector<512x136xbf16>, vector<512x512xf32> -> vector<512x512xf32>
      %max3A_315 = arith.constant 0.000000e+00 : f32
      %max3A_316 = vector.broadcast %max3A_315 : f32 to vector<512x512xf32>
      %max3A_317 = arith.maximumf %max3A_316, %dot_general3A_314 : vector<512x512xf32>
      %reduce_sum3A_318 = arith.constant dense<0.000000e+00> : vector<512xf32>
      %reduce_sum3A_319 = vector.multi_reduction <add>, %max3A_317, %reduce_sum3A_318 [0] : vector<512x512xf32> to vector<512xf32>
      %broadcast_in_dim3A_320 = vector.shape_cast %reduce_sum3A_319 : vector<512xf32> to vector<1x512xf32>
      %mul3A_321 = arith.constant 1.250000e-01 : f32
      %mul3A_322 = vector.broadcast %mul3A_321 : f32 to vector<1x512xf32>
      %mul3A_323 = arith.mulf %mul3A_322, %broadcast_in_dim3A_320 : vector<1x512xf32>
      %get3A_324 = arith.constant 1024 : index
      %get3A_325 = arith.constant 0 : index
      %get3A_326 = vector.load %arg4[%get3A_324, %get3A_325] : memref<4096x136xbf16, #tpu.memory_space<vmem>>, vector<512x136xbf16>
      %get3A_327 = arith.constant 3072 : index
      %get3A_328 = arith.constant 0 : index
      %get3A_329 = vector.load %arg5[%get3A_327, %get3A_328] : memref<4096x136xbf16, #tpu.memory_space<vmem>>, vector<512x136xbf16>
      %dot_general3A_330 = arith.constant dense<0.000000e+00> : vector<512x512xf32>
      %dot_general3A_331 = tpu.matmul %get3A_326, %get3A_329, %dot_general3A_330 {dimension_numbers = #tpu.dot_dimension_numbers<[1], [1], [0], [0], [0, 0, 1, 0], [], []>, transpose_lhs_hint = false} : vector<512x136xbf16>, vector<512x136xbf16>, vector<512x512xf32> -> vector<512x512xf32>
      %max3A_332 = arith.constant 0.000000e+00 : f32
      %max3A_333 = vector.broadcast %max3A_332 : f32 to vector<512x512xf32>
      %max3A_334 = arith.maximumf %max3A_333, %dot_general3A_331 : vector<512x512xf32>
      %reduce_sum3A_335 = arith.constant dense<0.000000e+00> : vector<512xf32>
      %reduce_sum3A_336 = vector.multi_reduction <add>, %max3A_334, %reduce_sum3A_335 [0] : vector<512x512xf32> to vector<512xf32>
      %broadcast_in_dim3A_337 = vector.shape_cast %reduce_sum3A_336 : vector<512xf32> to vector<1x512xf32>
      %mul3A_338 = arith.constant 1.250000e-01 : f32
      %mul3A_339 = vector.broadcast %mul3A_338 : f32 to vector<1x512xf32>
      %mul3A_340 = arith.mulf %mul3A_339, %broadcast_in_dim3A_337 : vector<1x512xf32>
      %get3A_341 = arith.constant 1024 : index
      %get3A_342 = arith.constant 0 : index
      %get3A_343 = vector.load %arg4[%get3A_341, %get3A_342] : memref<4096x136xbf16, #tpu.memory_space<vmem>>, vector<512x136xbf16>
      %get3A_344 = arith.constant 3584 : index
      %get3A_345 = arith.constant 0 : index
      %get3A_346 = vector.load %arg5[%get3A_344, %get3A_345] : memref<4096x136xbf16, #tpu.memory_space<vmem>>, vector<512x136xbf16>
      %dot_general3A_347 = arith.constant dense<0.000000e+00> : vector<512x512xf32>
      %dot_general3A_348 = tpu.matmul %get3A_343, %get3A_346, %dot_general3A_347 {dimension_numbers = #tpu.dot_dimension_numbers<[1], [1], [0], [0], [0, 0, 1, 0], [], []>, transpose_lhs_hint = false} : vector<512x136xbf16>, vector<512x136xbf16>, vector<512x512xf32> -> vector<512x512xf32>
      %max3A_349 = arith.constant 0.000000e+00 : f32
      %max3A_350 = vector.broadcast %max3A_349 : f32 to vector<512x512xf32>
      %max3A_351 = arith.maximumf %max3A_350, %dot_general3A_348 : vector<512x512xf32>
      %reduce_sum3A_352 = arith.constant dense<0.000000e+00> : vector<512xf32>
      %reduce_sum3A_353 = vector.multi_reduction <add>, %max3A_351, %reduce_sum3A_352 [0] : vector<512x512xf32> to vector<512xf32>
      %broadcast_in_dim3A_354 = vector.shape_cast %reduce_sum3A_353 : vector<512xf32> to vector<1x512xf32>
      %mul3A_355 = arith.constant 1.250000e-01 : f32
      %mul3A_356 = vector.broadcast %mul3A_355 : f32 to vector<1x512xf32>
      %mul3A_357 = arith.mulf %mul3A_356, %broadcast_in_dim3A_354 : vector<1x512xf32>
      %get3A_358 = arith.constant 1536 : index
      %get3A_359 = arith.constant 0 : index
      %get3A_360 = vector.load %arg4[%get3A_358, %get3A_359] : memref<4096x136xbf16, #tpu.memory_space<vmem>>, vector<512x136xbf16>
      %get3A_361 = arith.constant 1536 : index
      %get3A_362 = arith.constant 0 : index
      %get3A_363 = vector.load %arg5[%get3A_361, %get3A_362] : memref<4096x136xbf16, #tpu.memory_space<vmem>>, vector<512x136xbf16>
      %dot_general3A_364 = arith.constant dense<0.000000e+00> : vector<512x512xf32>
      %dot_general3A_365 = tpu.matmul %get3A_360, %get3A_363, %dot_general3A_364 {dimension_numbers = #tpu.dot_dimension_numbers<[1], [1], [0], [0], [0, 0, 1, 0], [], []>, transpose_lhs_hint = false} : vector<512x136xbf16>, vector<512x136xbf16>, vector<512x512xf32> -> vector<512x512xf32>
      %max3A_366 = arith.constant 0.000000e+00 : f32
      %max3A_367 = vector.broadcast %max3A_366 : f32 to vector<512x512xf32>
      %max3A_368 = arith.maximumf %max3A_367, %dot_general3A_365 : vector<512x512xf32>
      %reduce_sum3A_369 = arith.constant dense<0.000000e+00> : vector<512xf32>
      %reduce_sum3A_370 = vector.multi_reduction <add>, %max3A_368, %reduce_sum3A_369 [0] : vector<512x512xf32> to vector<512xf32>
      %broadcast_in_dim3A_371 = vector.shape_cast %reduce_sum3A_370 : vector<512xf32> to vector<1x512xf32>
      %mul3A_372 = arith.constant 6.250000e-02 : f32
      %mul3A_373 = vector.broadcast %mul3A_372 : f32 to vector<1x512xf32>
      %mul3A_374 = arith.mulf %mul3A_373, %broadcast_in_dim3A_371 : vector<1x512xf32>
      %get3A_375 = arith.constant 1536 : index
      %get3A_376 = arith.constant 0 : index
      %get3A_377 = vector.load %arg4[%get3A_375, %get3A_376] : memref<4096x136xbf16, #tpu.memory_space<vmem>>, vector<512x136xbf16>
      %get3A_378 = arith.constant 2048 : index
      %get3A_379 = arith.constant 0 : index
      %get3A_380 = vector.load %arg5[%get3A_378, %get3A_379] : memref<4096x136xbf16, #tpu.memory_space<vmem>>, vector<512x136xbf16>
      %dot_general3A_381 = arith.constant dense<0.000000e+00> : vector<512x512xf32>
      %dot_general3A_382 = tpu.matmul %get3A_377, %get3A_380, %dot_general3A_381 {dimension_numbers = #tpu.dot_dimension_numbers<[1], [1], [0], [0], [0, 0, 1, 0], [], []>, transpose_lhs_hint = false} : vector<512x136xbf16>, vector<512x136xbf16>, vector<512x512xf32> -> vector<512x512xf32>
      %max3A_383 = arith.constant 0.000000e+00 : f32
      %max3A_384 = vector.broadcast %max3A_383 : f32 to vector<512x512xf32>
      %max3A_385 = arith.maximumf %max3A_384, %dot_general3A_382 : vector<512x512xf32>
      %reduce_sum3A_386 = arith.constant dense<0.000000e+00> : vector<512xf32>
      %reduce_sum3A_387 = vector.multi_reduction <add>, %max3A_385, %reduce_sum3A_386 [0] : vector<512x512xf32> to vector<512xf32>
      %broadcast_in_dim3A_388 = vector.shape_cast %reduce_sum3A_387 : vector<512xf32> to vector<1x512xf32>
      %mul3A_389 = arith.constant 1.250000e-01 : f32
      %mul3A_390 = vector.broadcast %mul3A_389 : f32 to vector<1x512xf32>
      %mul3A_391 = arith.mulf %mul3A_390, %broadcast_in_dim3A_388 : vector<1x512xf32>
      %get3A_392 = arith.constant 1536 : index
      %get3A_393 = arith.constant 0 : index
      %get3A_394 = vector.load %arg4[%get3A_392, %get3A_393] : memref<4096x136xbf16, #tpu.memory_space<vmem>>, vector<512x136xbf16>
      %get3A_395 = arith.constant 2560 : index
      %get3A_396 = arith.constant 0 : index
      %get3A_397 = vector.load %arg5[%get3A_395, %get3A_396] : memref<4096x136xbf16, #tpu.memory_space<vmem>>, vector<512x136xbf16>
      %dot_general3A_398 = arith.constant dense<0.000000e+00> : vector<512x512xf32>
      %dot_general3A_399 = tpu.matmul %get3A_394, %get3A_397, %dot_general3A_398 {dimension_numbers = #tpu.dot_dimension_numbers<[1], [1], [0], [0], [0, 0, 1, 0], [], []>, transpose_lhs_hint = false} : vector<512x136xbf16>, vector<512x136xbf16>, vector<512x512xf32> -> vector<512x512xf32>
      %max3A_400 = arith.constant 0.000000e+00 : f32
      %max3A_401 = vector.broadcast %max3A_400 : f32 to vector<512x512xf32>
      %max3A_402 = arith.maximumf %max3A_401, %dot_general3A_399 : vector<512x512xf32>
      %reduce_sum3A_403 = arith.constant dense<0.000000e+00> : vector<512xf32>
      %reduce_sum3A_404 = vector.multi_reduction <add>, %max3A_402, %reduce_sum3A_403 [0] : vector<512x512xf32> to vector<512xf32>
      %broadcast_in_dim3A_405 = vector.shape_cast %reduce_sum3A_404 : vector<512xf32> to vector<1x512xf32>
      %mul3A_406 = arith.constant 1.250000e-01 : f32
      %mul3A_407 = vector.broadcast %mul3A_406 : f32 to vector<1x512xf32>
      %mul3A_408 = arith.mulf %mul3A_407, %broadcast_in_dim3A_405 : vector<1x512xf32>
      %get3A_409 = arith.constant 1536 : index
      %get3A_410 = arith.constant 0 : index
      %get3A_411 = vector.load %arg4[%get3A_409, %get3A_410] : memref<4096x136xbf16, #tpu.memory_space<vmem>>, vector<512x136xbf16>
      %get3A_412 = arith.constant 3072 : index
      %get3A_413 = arith.constant 0 : index
      %get3A_414 = vector.load %arg5[%get3A_412, %get3A_413] : memref<4096x136xbf16, #tpu.memory_space<vmem>>, vector<512x136xbf16>
      %dot_general3A_415 = arith.constant dense<0.000000e+00> : vector<512x512xf32>
      %dot_general3A_416 = tpu.matmul %get3A_411, %get3A_414, %dot_general3A_415 {dimension_numbers = #tpu.dot_dimension_numbers<[1], [1], [0], [0], [0, 0, 1, 0], [], []>, transpose_lhs_hint = false} : vector<512x136xbf16>, vector<512x136xbf16>, vector<512x512xf32> -> vector<512x512xf32>
      %max3A_417 = arith.constant 0.000000e+00 : f32
      %max3A_418 = vector.broadcast %max3A_417 : f32 to vector<512x512xf32>
      %max3A_419 = arith.maximumf %max3A_418, %dot_general3A_416 : vector<512x512xf32>
      %reduce_sum3A_420 = arith.constant dense<0.000000e+00> : vector<512xf32>
      %reduce_sum3A_421 = vector.multi_reduction <add>, %max3A_419, %reduce_sum3A_420 [0] : vector<512x512xf32> to vector<512xf32>
      %broadcast_in_dim3A_422 = vector.shape_cast %reduce_sum3A_421 : vector<512xf32> to vector<1x512xf32>
      %mul3A_423 = arith.constant 1.250000e-01 : f32
      %mul3A_424 = vector.broadcast %mul3A_423 : f32 to vector<1x512xf32>
      %mul3A_425 = arith.mulf %mul3A_424, %broadcast_in_dim3A_422 : vector<1x512xf32>
      %get3A_426 = arith.constant 1536 : index
      %get3A_427 = arith.constant 0 : index
      %get3A_428 = vector.load %arg4[%get3A_426, %get3A_427] : memref<4096x136xbf16, #tpu.memory_space<vmem>>, vector<512x136xbf16>
      %get3A_429 = arith.constant 3584 : index
      %get3A_430 = arith.constant 0 : index
      %get3A_431 = vector.load %arg5[%get3A_429, %get3A_430] : memref<4096x136xbf16, #tpu.memory_space<vmem>>, vector<512x136xbf16>
      %dot_general3A_432 = arith.constant dense<0.000000e+00> : vector<512x512xf32>
      %dot_general3A_433 = tpu.matmul %get3A_428, %get3A_431, %dot_general3A_432 {dimension_numbers = #tpu.dot_dimension_numbers<[1], [1], [0], [0], [0, 0, 1, 0], [], []>, transpose_lhs_hint = false} : vector<512x136xbf16>, vector<512x136xbf16>, vector<512x512xf32> -> vector<512x512xf32>
      %max3A_434 = arith.constant 0.000000e+00 : f32
      %max3A_435 = vector.broadcast %max3A_434 : f32 to vector<512x512xf32>
      %max3A_436 = arith.maximumf %max3A_435, %dot_general3A_433 : vector<512x512xf32>
      %reduce_sum3A_437 = arith.constant dense<0.000000e+00> : vector<512xf32>
      %reduce_sum3A_438 = vector.multi_reduction <add>, %max3A_436, %reduce_sum3A_437 [0] : vector<512x512xf32> to vector<512xf32>
      %broadcast_in_dim3A_439 = vector.shape_cast %reduce_sum3A_438 : vector<512xf32> to vector<1x512xf32>
      %mul3A_440 = arith.constant 1.250000e-01 : f32
      %mul3A_441 = vector.broadcast %mul3A_440 : f32 to vector<1x512xf32>
      %mul3A_442 = arith.mulf %mul3A_441, %broadcast_in_dim3A_439 : vector<1x512xf32>
      %get3A_443 = arith.constant 2048 : index
      %get3A_444 = arith.constant 0 : index
      %get3A_445 = vector.load %arg4[%get3A_443, %get3A_444] : memref<4096x136xbf16, #tpu.memory_space<vmem>>, vector<512x136xbf16>
      %get3A_446 = arith.constant 2048 : index
      %get3A_447 = arith.constant 0 : index
      %get3A_448 = vector.load %arg5[%get3A_446, %get3A_447] : memref<4096x136xbf16, #tpu.memory_space<vmem>>, vector<512x136xbf16>
      %dot_general3A_449 = arith.constant dense<0.000000e+00> : vector<512x512xf32>
      %dot_general3A_450 = tpu.matmul %get3A_445, %get3A_448, %dot_general3A_449 {dimension_numbers = #tpu.dot_dimension_numbers<[1], [1], [0], [0], [0, 0, 1, 0], [], []>, transpose_lhs_hint = false} : vector<512x136xbf16>, vector<512x136xbf16>, vector<512x512xf32> -> vector<512x512xf32>
      %max3A_451 = arith.constant 0.000000e+00 : f32
      %max3A_452 = vector.broadcast %max3A_451 : f32 to vector<512x512xf32>
      %max3A_453 = arith.maximumf %max3A_452, %dot_general3A_450 : vector<512x512xf32>
      %reduce_sum3A_454 = arith.constant dense<0.000000e+00> : vector<512xf32>
      %reduce_sum3A_455 = vector.multi_reduction <add>, %max3A_453, %reduce_sum3A_454 [0] : vector<512x512xf32> to vector<512xf32>
      %broadcast_in_dim3A_456 = vector.shape_cast %reduce_sum3A_455 : vector<512xf32> to vector<1x512xf32>
      %mul3A_457 = arith.constant 6.250000e-02 : f32
      %mul3A_458 = vector.broadcast %mul3A_457 : f32 to vector<1x512xf32>
      %mul3A_459 = arith.mulf %mul3A_458, %broadcast_in_dim3A_456 : vector<1x512xf32>
      %get3A_460 = arith.constant 2048 : index
      %get3A_461 = arith.constant 0 : index
      %get3A_462 = vector.load %arg4[%get3A_460, %get3A_461] : memref<4096x136xbf16, #tpu.memory_space<vmem>>, vector<512x136xbf16>
      %get3A_463 = arith.constant 2560 : index
      %get3A_464 = arith.constant 0 : index
      %get3A_465 = vector.load %arg5[%get3A_463, %get3A_464] : memref<4096x136xbf16, #tpu.memory_space<vmem>>, vector<512x136xbf16>
      %dot_general3A_466 = arith.constant dense<0.000000e+00> : vector<512x512xf32>
      %dot_general3A_467 = tpu.matmul %get3A_462, %get3A_465, %dot_general3A_466 {dimension_numbers = #tpu.dot_dimension_numbers<[1], [1], [0], [0], [0, 0, 1, 0], [], []>, transpose_lhs_hint = false} : vector<512x136xbf16>, vector<512x136xbf16>, vector<512x512xf32> -> vector<512x512xf32>
      %max3A_468 = arith.constant 0.000000e+00 : f32
      %max3A_469 = vector.broadcast %max3A_468 : f32 to vector<512x512xf32>
      %max3A_470 = arith.maximumf %max3A_469, %dot_general3A_467 : vector<512x512xf32>
      %reduce_sum3A_471 = arith.constant dense<0.000000e+00> : vector<512xf32>
      %reduce_sum3A_472 = vector.multi_reduction <add>, %max3A_470, %reduce_sum3A_471 [0] : vector<512x512xf32> to vector<512xf32>
      %broadcast_in_dim3A_473 = vector.shape_cast %reduce_sum3A_472 : vector<512xf32> to vector<1x512xf32>
      %mul3A_474 = arith.constant 1.250000e-01 : f32
      %mul3A_475 = vector.broadcast %mul3A_474 : f32 to vector<1x512xf32>
      %mul3A_476 = arith.mulf %mul3A_475, %broadcast_in_dim3A_473 : vector<1x512xf32>
      %get3A_477 = arith.constant 2048 : index
      %get3A_478 = arith.constant 0 : index
      %get3A_479 = vector.load %arg4[%get3A_477, %get3A_478] : memref<4096x136xbf16, #tpu.memory_space<vmem>>, vector<512x136xbf16>
      %get3A_480 = arith.constant 3072 : index
      %get3A_481 = arith.constant 0 : index
      %get3A_482 = vector.load %arg5[%get3A_480, %get3A_481] : memref<4096x136xbf16, #tpu.memory_space<vmem>>, vector<512x136xbf16>
      %dot_general3A_483 = arith.constant dense<0.000000e+00> : vector<512x512xf32>
      %dot_general3A_484 = tpu.matmul %get3A_479, %get3A_482, %dot_general3A_483 {dimension_numbers = #tpu.dot_dimension_numbers<[1], [1], [0], [0], [0, 0, 1, 0], [], []>, transpose_lhs_hint = false} : vector<512x136xbf16>, vector<512x136xbf16>, vector<512x512xf32> -> vector<512x512xf32>
      %max3A_485 = arith.constant 0.000000e+00 : f32
      %max3A_486 = vector.broadcast %max3A_485 : f32 to vector<512x512xf32>
      %max3A_487 = arith.maximumf %max3A_486, %dot_general3A_484 : vector<512x512xf32>
      %reduce_sum3A_488 = arith.constant dense<0.000000e+00> : vector<512xf32>
      %reduce_sum3A_489 = vector.multi_reduction <add>, %max3A_487, %reduce_sum3A_488 [0] : vector<512x512xf32> to vector<512xf32>
      %broadcast_in_dim3A_490 = vector.shape_cast %reduce_sum3A_489 : vector<512xf32> to vector<1x512xf32>
      %mul3A_491 = arith.constant 1.250000e-01 : f32
      %mul3A_492 = vector.broadcast %mul3A_491 : f32 to vector<1x512xf32>
      %mul3A_493 = arith.mulf %mul3A_492, %broadcast_in_dim3A_490 : vector<1x512xf32>
      %get3A_494 = arith.constant 2048 : index
      %get3A_495 = arith.constant 0 : index
      %get3A_496 = vector.load %arg4[%get3A_494, %get3A_495] : memref<4096x136xbf16, #tpu.memory_space<vmem>>, vector<512x136xbf16>
      %get3A_497 = arith.constant 3584 : index
      %get3A_498 = arith.constant 0 : index
      %get3A_499 = vector.load %arg5[%get3A_497, %get3A_498] : memref<4096x136xbf16, #tpu.memory_space<vmem>>, vector<512x136xbf16>
      %dot_general3A_500 = arith.constant dense<0.000000e+00> : vector<512x512xf32>
      %dot_general3A_501 = tpu.matmul %get3A_496, %get3A_499, %dot_general3A_500 {dimension_numbers = #tpu.dot_dimension_numbers<[1], [1], [0], [0], [0, 0, 1, 0], [], []>, transpose_lhs_hint = false} : vector<512x136xbf16>, vector<512x136xbf16>, vector<512x512xf32> -> vector<512x512xf32>
      %max3A_502 = arith.constant 0.000000e+00 : f32
      %max3A_503 = vector.broadcast %max3A_502 : f32 to vector<512x512xf32>
      %max3A_504 = arith.maximumf %max3A_503, %dot_general3A_501 : vector<512x512xf32>
      %reduce_sum3A_505 = arith.constant dense<0.000000e+00> : vector<512xf32>
      %reduce_sum3A_506 = vector.multi_reduction <add>, %max3A_504, %reduce_sum3A_505 [0] : vector<512x512xf32> to vector<512xf32>
      %broadcast_in_dim3A_507 = vector.shape_cast %reduce_sum3A_506 : vector<512xf32> to vector<1x512xf32>
      %mul3A_508 = arith.constant 1.250000e-01 : f32
      %mul3A_509 = vector.broadcast %mul3A_508 : f32 to vector<1x512xf32>
      %mul3A_510 = arith.mulf %mul3A_509, %broadcast_in_dim3A_507 : vector<1x512xf32>
      %get3A_511 = arith.constant 2560 : index
      %get3A_512 = arith.constant 0 : index
      %get3A_513 = vector.load %arg4[%get3A_511, %get3A_512] : memref<4096x136xbf16, #tpu.memory_space<vmem>>, vector<512x136xbf16>
      %get3A_514 = arith.constant 2560 : index
      %get3A_515 = arith.constant 0 : index
      %get3A_516 = vector.load %arg5[%get3A_514, %get3A_515] : memref<4096x136xbf16, #tpu.memory_space<vmem>>, vector<512x136xbf16>
      %dot_general3A_517 = arith.constant dense<0.000000e+00> : vector<512x512xf32>
      %dot_general3A_518 = tpu.matmul %get3A_513, %get3A_516, %dot_general3A_517 {dimension_numbers = #tpu.dot_dimension_numbers<[1], [1], [0], [0], [0, 0, 1, 0], [], []>, transpose_lhs_hint = false} : vector<512x136xbf16>, vector<512x136xbf16>, vector<512x512xf32> -> vector<512x512xf32>
      %max3A_519 = arith.constant 0.000000e+00 : f32
      %max3A_520 = vector.broadcast %max3A_519 : f32 to vector<512x512xf32>
      %max3A_521 = arith.maximumf %max3A_520, %dot_general3A_518 : vector<512x512xf32>
      %reduce_sum3A_522 = arith.constant dense<0.000000e+00> : vector<512xf32>
      %reduce_sum3A_523 = vector.multi_reduction <add>, %max3A_521, %reduce_sum3A_522 [0] : vector<512x512xf32> to vector<512xf32>
      %broadcast_in_dim3A_524 = vector.shape_cast %reduce_sum3A_523 : vector<512xf32> to vector<1x512xf32>
      %mul3A_525 = arith.constant 6.250000e-02 : f32
      %mul3A_526 = vector.broadcast %mul3A_525 : f32 to vector<1x512xf32>
      %mul3A_527 = arith.mulf %mul3A_526, %broadcast_in_dim3A_524 : vector<1x512xf32>
      %get3A_528 = arith.constant 2560 : index
      %get3A_529 = arith.constant 0 : index
      %get3A_530 = vector.load %arg4[%get3A_528, %get3A_529] : memref<4096x136xbf16, #tpu.memory_space<vmem>>, vector<512x136xbf16>
      %get3A_531 = arith.constant 3072 : index
      %get3A_532 = arith.constant 0 : index
      %get3A_533 = vector.load %arg5[%get3A_531, %get3A_532] : memref<4096x136xbf16, #tpu.memory_space<vmem>>, vector<512x136xbf16>
      %dot_general3A_534 = arith.constant dense<0.000000e+00> : vector<512x512xf32>
      %dot_general3A_535 = tpu.matmul %get3A_530, %get3A_533, %dot_general3A_534 {dimension_numbers = #tpu.dot_dimension_numbers<[1], [1], [0], [0], [0, 0, 1, 0], [], []>, transpose_lhs_hint = false} : vector<512x136xbf16>, vector<512x136xbf16>, vector<512x512xf32> -> vector<512x512xf32>
      %max3A_536 = arith.constant 0.000000e+00 : f32
      %max3A_537 = vector.broadcast %max3A_536 : f32 to vector<512x512xf32>
      %max3A_538 = arith.maximumf %max3A_537, %dot_general3A_535 : vector<512x512xf32>
      %reduce_sum3A_539 = arith.constant dense<0.000000e+00> : vector<512xf32>
      %reduce_sum3A_540 = vector.multi_reduction <add>, %max3A_538, %reduce_sum3A_539 [0] : vector<512x512xf32> to vector<512xf32>
      %broadcast_in_dim3A_541 = vector.shape_cast %reduce_sum3A_540 : vector<512xf32> to vector<1x512xf32>
      %mul3A_542 = arith.constant 1.250000e-01 : f32
      %mul3A_543 = vector.broadcast %mul3A_542 : f32 to vector<1x512xf32>
      %mul3A_544 = arith.mulf %mul3A_543, %broadcast_in_dim3A_541 : vector<1x512xf32>
      %get3A_545 = arith.constant 2560 : index
      %get3A_546 = arith.constant 0 : index
      %get3A_547 = vector.load %arg4[%get3A_545, %get3A_546] : memref<4096x136xbf16, #tpu.memory_space<vmem>>, vector<512x136xbf16>
      %get3A_548 = arith.constant 3584 : index
      %get3A_549 = arith.constant 0 : index
      %get3A_550 = vector.load %arg5[%get3A_548, %get3A_549] : memref<4096x136xbf16, #tpu.memory_space<vmem>>, vector<512x136xbf16>
      %dot_general3A_551 = arith.constant dense<0.000000e+00> : vector<512x512xf32>
      %dot_general3A_552 = tpu.matmul %get3A_547, %get3A_550, %dot_general3A_551 {dimension_numbers = #tpu.dot_dimension_numbers<[1], [1], [0], [0], [0, 0, 1, 0], [], []>, transpose_lhs_hint = false} : vector<512x136xbf16>, vector<512x136xbf16>, vector<512x512xf32> -> vector<512x512xf32>
      %max3A_553 = arith.constant 0.000000e+00 : f32
      %max3A_554 = vector.broadcast %max3A_553 : f32 to vector<512x512xf32>
      %max3A_555 = arith.maximumf %max3A_554, %dot_general3A_552 : vector<512x512xf32>
      %reduce_sum3A_556 = arith.constant dense<0.000000e+00> : vector<512xf32>
      %reduce_sum3A_557 = vector.multi_reduction <add>, %max3A_555, %reduce_sum3A_556 [0] : vector<512x512xf32> to vector<512xf32>
      %broadcast_in_dim3A_558 = vector.shape_cast %reduce_sum3A_557 : vector<512xf32> to vector<1x512xf32>
      %mul3A_559 = arith.constant 1.250000e-01 : f32
      %mul3A_560 = vector.broadcast %mul3A_559 : f32 to vector<1x512xf32>
      %mul3A_561 = arith.mulf %mul3A_560, %broadcast_in_dim3A_558 : vector<1x512xf32>
      %get3A_562 = arith.constant 3072 : index
      %get3A_563 = arith.constant 0 : index
      %get3A_564 = vector.load %arg4[%get3A_562, %get3A_563] : memref<4096x136xbf16, #tpu.memory_space<vmem>>, vector<512x136xbf16>
      %get3A_565 = arith.constant 3072 : index
      %get3A_566 = arith.constant 0 : index
      %get3A_567 = vector.load %arg5[%get3A_565, %get3A_566] : memref<4096x136xbf16, #tpu.memory_space<vmem>>, vector<512x136xbf16>
      %dot_general3A_568 = arith.constant dense<0.000000e+00> : vector<512x512xf32>
      %dot_general3A_569 = tpu.matmul %get3A_564, %get3A_567, %dot_general3A_568 {dimension_numbers = #tpu.dot_dimension_numbers<[1], [1], [0], [0], [0, 0, 1, 0], [], []>, transpose_lhs_hint = false} : vector<512x136xbf16>, vector<512x136xbf16>, vector<512x512xf32> -> vector<512x512xf32>
      %max3A_570 = arith.constant 0.000000e+00 : f32
      %max3A_571 = vector.broadcast %max3A_570 : f32 to vector<512x512xf32>
      %max3A_572 = arith.maximumf %max3A_571, %dot_general3A_569 : vector<512x512xf32>
      %reduce_sum3A_573 = arith.constant dense<0.000000e+00> : vector<512xf32>
      %reduce_sum3A_574 = vector.multi_reduction <add>, %max3A_572, %reduce_sum3A_573 [0] : vector<512x512xf32> to vector<512xf32>
      %broadcast_in_dim3A_575 = vector.shape_cast %reduce_sum3A_574 : vector<512xf32> to vector<1x512xf32>
      %mul3A_576 = arith.constant 6.250000e-02 : f32
      %mul3A_577 = vector.broadcast %mul3A_576 : f32 to vector<1x512xf32>
      %mul3A_578 = arith.mulf %mul3A_577, %broadcast_in_dim3A_575 : vector<1x512xf32>
      %get3A_579 = arith.constant 3072 : index
      %get3A_580 = arith.constant 0 : index
      %get3A_581 = vector.load %arg4[%get3A_579, %get3A_580] : memref<4096x136xbf16, #tpu.memory_space<vmem>>, vector<512x136xbf16>
      %get3A_582 = arith.constant 3584 : index
      %get3A_583 = arith.constant 0 : index
      %get3A_584 = vector.load %arg5[%get3A_582, %get3A_583] : memref<4096x136xbf16, #tpu.memory_space<vmem>>, vector<512x136xbf16>
      %dot_general3A_585 = arith.constant dense<0.000000e+00> : vector<512x512xf32>
      %dot_general3A_586 = tpu.matmul %get3A_581, %get3A_584, %dot_general3A_585 {dimension_numbers = #tpu.dot_dimension_numbers<[1], [1], [0], [0], [0, 0, 1, 0], [], []>, transpose_lhs_hint = false} : vector<512x136xbf16>, vector<512x136xbf16>, vector<512x512xf32> -> vector<512x512xf32>
      %max3A_587 = arith.constant 0.000000e+00 : f32
      %max3A_588 = vector.broadcast %max3A_587 : f32 to vector<512x512xf32>
      %max3A_589 = arith.maximumf %max3A_588, %dot_general3A_586 : vector<512x512xf32>
      %reduce_sum3A_590 = arith.constant dense<0.000000e+00> : vector<512xf32>
      %reduce_sum3A_591 = vector.multi_reduction <add>, %max3A_589, %reduce_sum3A_590 [0] : vector<512x512xf32> to vector<512xf32>
      %broadcast_in_dim3A_592 = vector.shape_cast %reduce_sum3A_591 : vector<512xf32> to vector<1x512xf32>
      %mul3A_593 = arith.constant 1.250000e-01 : f32
      %mul3A_594 = vector.broadcast %mul3A_593 : f32 to vector<1x512xf32>
      %mul3A_595 = arith.mulf %mul3A_594, %broadcast_in_dim3A_592 : vector<1x512xf32>
      %get3A_596 = arith.constant 3584 : index
      %get3A_597 = arith.constant 0 : index
      %get3A_598 = vector.load %arg4[%get3A_596, %get3A_597] : memref<4096x136xbf16, #tpu.memory_space<vmem>>, vector<512x136xbf16>
      %get3A_599 = arith.constant 3584 : index
      %get3A_600 = arith.constant 0 : index
      %get3A_601 = vector.load %arg5[%get3A_599, %get3A_600] : memref<4096x136xbf16, #tpu.memory_space<vmem>>, vector<512x136xbf16>
      %dot_general3A_602 = arith.constant dense<0.000000e+00> : vector<512x512xf32>
      %dot_general3A_603 = tpu.matmul %get3A_598, %get3A_601, %dot_general3A_602 {dimension_numbers = #tpu.dot_dimension_numbers<[1], [1], [0], [0], [0, 0, 1, 0], [], []>, transpose_lhs_hint = false} : vector<512x136xbf16>, vector<512x136xbf16>, vector<512x512xf32> -> vector<512x512xf32>
      %max3A_604 = arith.constant 0.000000e+00 : f32
      %max3A_605 = vector.broadcast %max3A_604 : f32 to vector<512x512xf32>
      %max3A_606 = arith.maximumf %max3A_605, %dot_general3A_603 : vector<512x512xf32>
      %reduce_sum3A_607 = arith.constant dense<0.000000e+00> : vector<512xf32>
      %reduce_sum3A_608 = vector.multi_reduction <add>, %max3A_606, %reduce_sum3A_607 [0] : vector<512x512xf32> to vector<512xf32>
      %broadcast_in_dim3A_609 = vector.shape_cast %reduce_sum3A_608 : vector<512xf32> to vector<1x512xf32>
      %mul3A_610 = arith.constant 6.250000e-02 : f32
      %mul3A_611 = vector.broadcast %mul3A_610 : f32 to vector<1x512xf32>
      %mul3A_612 = arith.mulf %mul3A_611, %broadcast_in_dim3A_609 : vector<1x512xf32>
      %add3A = arith.addf %mul3A_17, %mul3A_34 : vector<1x512xf32>
      %add3A_613 = arith.addf %add3A, %mul3A_51 : vector<1x512xf32>
      %add3A_614 = arith.addf %add3A_613, %mul3A_68 : vector<1x512xf32>
      %add3A_615 = arith.addf %add3A_614, %mul3A_85 : vector<1x512xf32>
      %add3A_616 = arith.addf %add3A_615, %mul3A_102 : vector<1x512xf32>
      %add3A_617 = arith.addf %add3A_616, %mul3A_119 : vector<1x512xf32>
      %add3A_618 = arith.addf %add3A_617, %mul3A_136 : vector<1x512xf32>
      %add3A_619 = arith.addf %add3A_618, %mul3A_153 : vector<1x512xf32>
      %add3A_620 = arith.addf %add3A_619, %mul3A_170 : vector<1x512xf32>
      %add3A_621 = arith.addf %add3A_620, %mul3A_187 : vector<1x512xf32>
      %add3A_622 = arith.addf %add3A_621, %mul3A_204 : vector<1x512xf32>
      %add3A_623 = arith.addf %add3A_622, %mul3A_221 : vector<1x512xf32>
      %add3A_624 = arith.addf %add3A_623, %mul3A_238 : vector<1x512xf32>
      %add3A_625 = arith.addf %add3A_624, %mul3A_255 : vector<1x512xf32>
      %add3A_626 = arith.addf %add3A_625, %mul3A_272 : vector<1x512xf32>
      %add3A_627 = arith.addf %add3A_626, %mul3A_289 : vector<1x512xf32>
      %add3A_628 = arith.addf %add3A_627, %mul3A_306 : vector<1x512xf32>
      %add3A_629 = arith.addf %add3A_628, %mul3A_323 : vector<1x512xf32>
      %add3A_630 = arith.addf %add3A_629, %mul3A_340 : vector<1x512xf32>
      %add3A_631 = arith.addf %add3A_630, %mul3A_357 : vector<1x512xf32>
      %add3A_632 = arith.addf %add3A_631, %mul3A_374 : vector<1x512xf32>
      %add3A_633 = arith.addf %add3A_632, %mul3A_391 : vector<1x512xf32>
      %add3A_634 = arith.addf %add3A_633, %mul3A_408 : vector<1x512xf32>
      %add3A_635 = arith.addf %add3A_634, %mul3A_425 : vector<1x512xf32>
      %add3A_636 = arith.addf %add3A_635, %mul3A_442 : vector<1x512xf32>
      %add3A_637 = arith.addf %add3A_636, %mul3A_459 : vector<1x512xf32>
      %add3A_638 = arith.addf %add3A_637, %mul3A_476 : vector<1x512xf32>
      %add3A_639 = arith.addf %add3A_638, %mul3A_493 : vector<1x512xf32>
      %add3A_640 = arith.addf %add3A_639, %mul3A_510 : vector<1x512xf32>
      %add3A_641 = arith.addf %add3A_640, %mul3A_527 : vector<1x512xf32>
      %add3A_642 = arith.addf %add3A_641, %mul3A_544 : vector<1x512xf32>
      %add3A_643 = arith.addf %add3A_642, %mul3A_561 : vector<1x512xf32>
      %add3A_644 = arith.addf %add3A_643, %mul3A_578 : vector<1x512xf32>
      %add3A_645 = arith.addf %add3A_644, %mul3A_595 : vector<1x512xf32>
      %add3A_646 = arith.addf %add3A_645, %mul3A_612 : vector<1x512xf32>
      %reduce_sum3A_647 = vector.shape_cast %add3A_646 : vector<1x512xf32> to vector<1x1x512xf32>
      %reduce_sum3A_648 = arith.constant dense<0.000000e+00> : vector<1xf32>
      %reduce_sum3A_649 = vector.multi_reduction <add>, %reduce_sum3A_647, %reduce_sum3A_648 [1, 2] : vector<1x1x512xf32> to vector<1xf32>
      %reduce_sum3A_650 = vector.shape_cast %reduce_sum3A_649 : vector<1xf32> to vector<1x1x1xf32>
      %reduce_sum3A_651 = vector.extract %reduce_sum3A_650[0, 0, 0] : f32 from vector<1x1x1xf32>
      %get3A_652 = arith.constant 0 : index
      %get3A_653 = arith.constant 0 : index
      %get3A_654 = vector.load %arg2[%get3A_652, %get3A_653] : memref<32x16xf32, #tpu.memory_space<vmem>>, vector<32x16xf32>
      %reduce_sum3A_655 = vector.shape_cast %get3A_654 : vector<32x16xf32> to vector<1x32x16xf32>
      %reduce_sum3A_656 = arith.constant dense<0.000000e+00> : vector<1xf32>
      %reduce_sum3A_657 = vector.multi_reduction <add>, %reduce_sum3A_655, %reduce_sum3A_656 [1, 2] : vector<1x32x16xf32> to vector<1xf32>
      %reduce_sum3A_658 = vector.shape_cast %reduce_sum3A_657 : vector<1xf32> to vector<1x1x1xf32>
      %reduce_sum3A_659 = vector.extract %reduce_sum3A_658[0, 0, 0] : f32 from vector<1x1x1xf32>
      %add3A_660 = arith.addf %reduce_sum3A_651, %reduce_sum3A_659 : f32
      %swap3A = arith.constant 0 : index
      %swap3A_661 = arith.constant 0 : index
      %swap3A_662 = memref.load %arg3[%swap3A, %swap3A_661] : memref<1x1xf32, #tpu.memory_space<smem>>
      memref.store %add3A_660, %arg3[%swap3A, %swap3A_661] : memref<1x1xf32, #tpu.memory_space<smem>>
    } else {
    }
    return
  }
  func.func @transform_0(%arg0: i32) -> (i32, i32) {
    %c0_i32 = arith.constant 0 : i32
    %c0_i32_0 = arith.constant 0 : i32
    %c0_i32_1 = arith.constant 0 : i32
    return %c0_i32, %c0_i32_0 : i32, i32
  }
  func.func @transform_1(%arg0: i32) -> (i32, i32) {
    %c0_i32 = arith.constant 0 : i32
    %c0_i32_0 = arith.constant 0 : i32
    %c0_i32_1 = arith.constant 0 : i32
    return %c0_i32, %c0_i32_0 : i32, i32
  }
  func.func @transform_2(%arg0: i32) -> (i32, i32) {
    %c0_i32 = arith.constant 0 : i32
    %c0_i32_0 = arith.constant 0 : i32
    %c0_i32_1 = arith.constant 0 : i32
    return %c0_i32, %c0_i32_0 : i32, i32
  }
}

</mosaic_0001>

<sc_bundles>
// kernel: kernel.4.cloned.1.call-start
scs
__scs_entry_jumppad:
0x0: {  	(pc) =	sbr.rel $0x88, $3  }
0x1: {  	(tag) =	ssettag $0x0;
	lr =	simm.s32 $0x1  }
0x2: {  	[smem:$0x3F9E] =	sst lr;
	_ =	strace $0xD0000000  }
0x3: {  	_ = 	snop  }
0x4: {  	_ = 	snop  }
0x5: {  	_ = 	snop  }
0x6: {  	_ = 	snop  }
0x7: {  	_ = 	snop  }
__scs_overlays_trampoline_lowered:
0x8: {  	[smem:$0x3FAD] =	sst s0  }
0x9: {  	[smem:$0x3FAE] =	sst s1  }
0xa: {  	[smem:$0x3FAF] =	sst s2  }
0xb: {  	[smem:$0x3FB0] =	sst s3  }
0xc: {  	[smem:$0x3FB1] =	sst s4  }
0xd: {  	[smem:$0x3FB2] =	sst s5  }
0xe: {  	[smem:$0x3FB3] =	sst s6  }
0xf: {  	[smem:$0x3FB4] =	sst s7  }
0x10: {  	[smem:$0x3FB5] =	sst s8  }
0x11: {  	[smem:$0x3FB6] =	sst s9;
	s0 =	simm.s32 @!p0 $0x0  }
0x12: {  	s1 =	sld [smem:$0x3F9C];
	s0 =	simm.s32 @p0 $0x1  }
0x13: {  	[smem:$0x3FB7] =	sst s0;
	s0 =	simm.s32 @!p1 $0x0  }
0x14: {  	s2 =	sld [smem:$0x3F9B];
	s0 =	simm.s32 @p1 $0x1  }
0x15: {  	[smem:$0x3FB8] =	sst s0;
	s0 =	simm.s32 @!p2 $0x0  }
0x16: {  	s3 =	sld [smem:$0x3FDB];
	s0 =	simm.s32 @p2 $0x1  }
0x17: {  	s4 =	simm.s32 $0x1BF5;
	[smem:$0x3FBA] =	sst s0  }
0x18: {  	s0 =	sld [smem:$0x3F9D];
	_ =	swait.ge [sflag:s4], $0x0  }
0x19: {  	s7 =	sld [smem:$0x3F9E]  }
0x1a: {  	s8 =	sadd.s32 $0xFFFFE003, lr  }
0x1b: {  	s9 =	sadd.s32 $0xFFFFFEF7, lr;
	s5 =	simm.s32 $0xFFFFFFFF;
	p2 =	slt.u32 s8, $0xFFFFF086  }
0x1c: {  	p1 =	slt.u32 s9, $0xF7A;
	s5 =	simm.s32 @!p2 $0x0  }
0x1d: {  	s5 =	simm.s32 @p1 $0x1;
	p0 =	seq.s32 s7, s2  }
0x1e: {  	s7 =	smul.u32 @!p0 $0xF7A, s2;
	p2 =	seq.s32 @!p0 s5, $0x0  }
0x1f: {  	s9 =	smul.u32 $0xF7A, s1;
	s8 =	simm.s32 @!p0 $0x1BF5;
	p2 =	por !p2, p0  }
0x20: {  	[sflag:s8] =	ssyncset.s32 @!p0 $0xFFFFF086;
	s6 =	sadd.s32 @!p0 s3, s7;
	s7 =	simm.s32 @!p0 $0x108  }
0x21: {  	s3 =	sadd.s32 s3, s9;
	s6 =	sadd.s32 @!p0 $0x88, s6;
	s7 =	simm.s32 @p2 $0x1082  }
0x22: {  	[simem:s7], [sflag:s8] =	dma.local @!p0 [hbm:s6], $0xF7A  }
0x23: {  	s9 =	sor.u32 $0xD0000000, s2;
	s6 =	simm.s32 $0x108;
	_ =	swait.ge @!p0 [sflag:s8], $0x0  }
0x24: {  	s3 =	sadd.s32 $0x88, s3;
	s6 =	simm.s32 @!p1 $0x1082;
	[sflag:s4] =	ssyncset.s32 $0xFFFFF086  }
0x25: {  	[simem:s6], [sflag:s4] =	dma.local [hbm:s3], $0xF7A  }
0x26: {  	[smem:$0x3F9E] =	sst s1;
	(tag) =	ssettag s2;
	_ =	strace s9  }
0x27: {  	s1 =	sld [smem:$0x3FAE]  }
0x28: {  	s2 =	sld [smem:$0x3FAF]  }
0x29: {  	s4 =	sld [smem:$0x3FB1]  }
0x2a: {  	p0 =	seq.s32 s5, $0x0;
	s5 =	sld [smem:$0x3FB2]  }
0x2b: {  	s6 =	sld [smem:$0x3FB3]  }
0x2c: {  	s7 =	sld [smem:$0x3FB4]  }
0x2d: {  	s3 =	simm.s32 $0x108;
	s8 =	sld [smem:$0x3FB5]  }
0x2e: {  	s3 =	simm.s32 @!p0 $0x1082;
	s9 =	sld [smem:$0x3FB6]  }
0x2f: {  	lr =	sadd.s32 s0, s3;
	s0 =	sld [smem:$0x3FAD]  }
0x30: {  	s3 =	sld [smem:$0x3FB0]  }
0x31: {  	[smem:$0x3FB9] =	sst s10  }
0x32: {  	s10 =	sld [smem:$0x3FB7];
	_ =	sdelay $0x3  }
0x33: {  	p0 =	seq.s32 s10, $0x1;
	s10 =	sld [smem:$0x3FB9];
	_ =	sdelay $0x3  }
0x34: {  	[smem:$0x3FB9] =	sst s10  }
0x35: {  	s10 =	sld [smem:$0x3FB8];
	_ =	sdelay $0x3  }
0x36: {  	p1 =	seq.s32 s10, $0x1;
	s10 =	sld [smem:$0x3FB9];
	_ =	sdelay $0x3  }
0x37: {  	[smem:$0x3FB9] =	sst s10  }
0x38: {  	s10 =	sld [smem:$0x3FBA]  }
0x39: {  	_ = 	snop;
	(pc) =	sbr.ind lr, $3  }
0x3a: {  	_ = 	snop  }
0x3b: {  	_ = 	snop  }
0x3c: {  	p2 =	seq.s32 s10, $0x1;
	s10 =	sld [smem:$0x3FB9]  }
0x3d: {  	_ =	shalt  }
0x3e: {  	_ =	shalt  }
0x3f: {  	_ =	shalt  }
0x40: {  	_ =	shalt  }
0x41: {  	_ =	shalt  }
0x42: {  	_ =	shalt  }
0x43: {  	_ =	shalt  }
0x44: {  	_ =	shalt  }
0x45: {  	_ =	shalt  }
0x46: {  	_ =	shalt  }
0x47: {  	_ =	shalt  }
0x48: {  	_ =	shalt  }
0x49: {  	_ =	shalt  }
0x4a: {  	_ =	shalt  }
0x4b: {  	_ =	shalt  }
0x4c: {  	_ =	shalt  }
0x4d: {  	_ =	shalt  }
0x4e: {  	_ =	shalt  }
0x4f: {  	_ =	shalt  }
0x50: {  	_ =	shalt  }
0x51: {  	_ =	shalt  }
0x52: {  	_ =	shalt  }
0x53: {  	_ =	shalt  }
0x54: {  	_ =	shalt  }
0x55: {  	_ =	shalt  }
0x56: {  	_ =	shalt  }
0x57: {  	_ =	shalt  }
0x58: {  	_ =	shalt  }
0x59: {  	_ =	shalt  }
0x5a: {  	_ =	shalt  }
0x5b: {  	_ =	shalt  }
0x5c: {  	_ =	shalt  }
0x5d: {  	_ =	shalt  }
0x5e: {  	_ =	shalt  }
0x5f: {  	_ =	shalt  }
0x60: {  	_ =	shalt  }
0x61: {  	_ =	shalt  }
0x62: {  	_ =	shalt  }
0x63: {  	_ =	shalt  }
0x64: {  	_ =	shalt  }
0x65: {  	_ =	shalt  }
0x66: {  	_ =	shalt  }
0x67: {  	_ =	shalt  }
0x68: {  	_ =	shalt  }
0x69: {  	_ =	shalt  }
0x6a: {  	_ =	shalt  }
0x6b: {  	_ =	shalt  }
0x6c: {  	_ =	shalt  }
0x6d: {  	_ =	shalt  }
0x6e: {  	_ =	shalt  }
0x6f: {  	_ =	shalt  }
0x70: {  	_ =	shalt  }
0x71: {  	_ =	shalt  }
0x72: {  	_ =	shalt  }
0x73: {  	_ =	shalt  }
0x74: {  	_ =	shalt  }
0x75: {  	_ =	shalt  }
0x76: {  	_ =	shalt  }
0x77: {  	_ =	shalt  }
0x78: {  	_ =	shalt  }
0x79: {  	_ =	shalt  }
0x7a: {  	_ =	shalt  }
0x7b: {  	_ =	shalt  }
0x7c: {  	_ =	shalt  }
0x7d: {  	_ =	shalt  }
0x7e: {  	_ =	shalt  }
0x7f: {  	_ =	shalt  }
0x80: {  	_ =	shalt  }
0x81: {  	_ =	shalt  }
0x82: {  	_ =	shalt  }
0x83: {  	_ =	shalt  }
0x84: {  	_ =	shalt  }
0x85: {  	_ =	shalt  }
0x86: {  	_ =	shalt  }
0x87: {  	_ =	shalt  }
.Lfunc_end0:
.L_simem_size_0:
called_computation_lowered:
.L_overlay_start_0:
0x88: {  	s2 =	sld [smem:$0x3FD9]  }
0x89: {  	s3 =	sld [smem:$0x3FFE];
	_ =	sdelay $0x1  }
0x8a: {  	s1 =	srdreg.scid  }
0x8b: {  	s0 =	sand.u32 $0x1, s1  }
0x8c: {  	s17 =	sshll.u32 s0, $0xA;
	s2 =	sadd.s32 s3, s2  }
0x8d: {  	s2 =	sadd.s32 s2, s17  }
0x8e: {  	[smem:$0x3FC5] =	sst s2  }
0x8f: {  	_ = 	snop  }
0x90: {  	s2 =	sld [smem:$0x3FC9]  }
0x91: {  	s18 =	sld [smem:$0x3FC8]  }
0x92: {  	s4 =	sld [smem:$0x3FC7];
	(tm) =	ssettm $0x1  }
0x93: {  	s5 =	sld [smem:$0x3FFB];
	_ =	sdelay $0x3  }
0x94: {  	_ =	strace s5  }
0x95: {  	s5 =	sld [smem:$0x3FFC];
	_ =	sdelay $0x3  }
0x96: {  	_ =	strace s5  }
0x97: {  	s5 =	sld [smem:$0x3FFD];
	_ =	sdelay $0x3  }
0x98: {  	_ =	strace s5  }
0x99: {  	_ =	strace $0x8FFFFFFF  }
0x9a: {  	s19 =	sld [smem:$0x3FDB];
	_ =	sdelay $0x1  }
0x9b: {  	s6 =	simm.s32 $_scs_section_size  }
0x9c: {  	s7 =	simm.s32 $_size__tile_overlayer_lowered;
	s8 =	simm.s32 $_tile_overlayer_lowered  }
0x9d: {  	s22 =	simm.s32 $0x1BFF;
	s21 =	sshll.u32 s8, $0x1;
	s5 =	sadd.s32 s6, s19  }
0x9e: {  	s9 =	simm.s32 $0x0;
	s20 =	sshll.u32 s7, $0x1;
	s7 =	sadd.s32 s21, s5  }
0x9f: {  	[timem:s9], [sflag:s22] =	dma.local [hbm:s7], s20  }
0xa0: {  	_ =	swait.ge [sflag:s22], s20  }
0xa1: {  	s6 =	ssub.s32 $0x0, s20;
	[sflag:s22] =	ssyncset.done $0x0  }
0xa2: {  	[sflag:s22] =	ssyncadd.s32 s6;
	_ =	sdelay $0x1  }
0xa3: {  	s23 =	simm.s32 $0x1B8B  }
0xa4: {  	_ =	swait.ge [sflag:s23], $0x1  }
0xa5: {  	[sflag:s23] =	ssyncset.done $0x0  }
0xa6: {  	s25 =	simm.s32 $0x1B8E;
	s24 =	sld [smem:$0x3FFE];
	[sflag:s23] =	ssyncadd.s32 $0xFFFFFFFF  }
0xa7: {  	s26 =	simm.s32 $execute0_lowered;
	[smem:$0x3FD2] =	sst s25  }
0xa8: {  	s7 =	sshll.u32 s26, $0x1;
	_ =	strace $0x80000046;
	[dreg:$0x1] =	wrdreg $0xFFFFFFFF  }
0xa9: {  	s28 =	simm.s32 $_size_execute0_lowered;
	s5 =	sadd.s32 s5, s7;
	[dreg:$0x0] =	wrdreg $0x0  }
0xaa: {  	s7 =	sshll.u32 s28, $0x1;
	[dreg:$0x2] =	wrdreg s5  }
0xab: {  	[dreg:$0x3] =	wrdreg s7  }
0xac: {  	[dreg:$0x4] =	wrdreg $0xC0  }
0xad: {  	_ =	task [dreg:s9], $0x5FFFF  }
0xae: {  	[dreg:$0x1] =	wrdreg $0xFFFFFFFF  }
0xaf: {  	[dreg:$0x0] =	wrdreg $0x60  }
0xb0: {  	[dreg:$0x2] =	wrdreg s4  }
0xb1: {  	[dreg:$0x3] =	wrdreg s18  }
0xb2: {  	[dreg:$0x4] =	wrdreg s2  }
0xb3: {  	[dreg:$0x5] =	wrdreg s24  }
0xb4: {  	[dreg:$0x6] =	wrdreg $0xC1800  }
0xb5: {  	[dreg:$0x7] =	wrdreg $0x9  }
0xb6: {  	_ =	task.clear_ibuf [dreg:s9], $0x8FFFF;
	_ =	strace $0x90000046  }
0xb7: {  	s29 =	simm.s32 $0x9;
	_ =	strace $0x80000048  }
0xb8: {  	_ =	swait.ge [sflag:s29], $0x1  }
0xb9: {  	[sflag:s29] =	ssyncadd.s32 $0xFFFFFFFF  }
0xba: {  	_ =	strace $0x90000048  }
0xbb: {  	_ =	sfence  }
0xbc: {  	s30 =	sld [smem:$0x0];
	_ =	sdelay $0x2  }
0xbd: {  	s31 =	sshll.u32 s1, $0xD;
	s1 =	sshrl.u32 s1, $0x2  }
0xbe: {  	s3 =	sand.u32 $0x4000, s31;
	s1 =	sadd.s32 s1, s30  }
0xbf: {  	s0 =	sor.u32 s3, s0;
	s1 =	sshll.u32 s1, $0x11  }
0xc0: {  	s0 =	sor.u32 s1, s0  }
0xc1: {  	s0 =	sadd.s32 $0x8F2B, s0  }
0xc2: {  	[sflag:s0] =	ssyncadd.remote.s32 $0x1  }
0xc3: {  	_ =	sfence.sel $0xFFFF  }
0xc4: {  	[dreg:$0x0] =	wrdreg $0xFFFFFFFF;
	(pc) =	sbr.abs _section_cstart, $3  }
0xc5: {  	[dreg:$0x1] =	wrdreg $0xFFFFFFFF  }
0xc6: {  	_ =	task.clear_ibuf [dreg:s9], $0x2FFFF;
	_ =	strace $0x9FFFFFFF  }
0xc7: {  	(tm) =	ssettm $0x7FFFFFFF  }
tec
execute0_lowered:
.L_overlay_start_1:
0x0: {  	(tag) =	ssettag $0x1  }
0x1: {  	s1 =	rddreg [dreg:$0x0]  }
0x2: {  	s0 =	rddreg [dreg:$0x1]  }
0x3: {  	s2 =	rddreg [dreg:$0x2]  }
0x4: {  	s5 =	rddreg [dreg:$0x3]  }
0x5: {  	s3 =	rddreg [dreg:$0x4]  }
0x6: {  	s6 =	srdreg.scid;
	s11 =	stileid.u32;
	s4 =	simm.s32 $0x0  }
0x7: {  	s20 =	simm.s32 $0x7;
	s21 =	simm.s32 $0x40;
	s22 =	simm.s32 $0x80  }
0x8: {  	s29 =	simm.s32 $0xDA00;
	s31 =	simm.s32 $0x4;
	s23 =	simm.s32 $0xC100  }
0x9: {  	s24 =	simm.s32 $0x5;
	s19 =	sand.u32 $0x1, s6;
	s25 =	sshll.u32 s11, $0x1  }
0xa: {  	[smem:$0x7FF] =	sst s4;
	s10 =	smul.u32 $0x6200, s11;
	s26 =	sshll.u32 s11, $0x5  }
0xb: {  	s6 =	sor.u32 s19, s25;
	_ =	strace $0x80000047;
	s8 =	ssub.s32 $0x2, s19  }
0xc: {  	p0 =	sne.s32 s19, $0x0;
	s19 =	simm.s32 $0x2;
	s25 =	simm.s32 $0x0  }
0xd: {  	s7 =	sshll.u32 s6, $0xB;
	s6 =	sshll.u32 s6, $0x4;
	s9 =	sshrl.u32 s8, $0x1  }
0xe: {  	s28 =	sshrl.u32 s10, $0x2;
	s16 =	sadd.s32 s7, s5;
	s17 =	sadd.s32 s6, s5  }
0xf: {  	s18 =	ssub.s32 s8, s9;
	s5 =	sadd.s32 s2, s7;
	s6 =	sadd.s32 s0, s6  }
0x10: {  	s0 =	sadd.s32 s26, s0;
	s7 =	sadd.s32 s28, s3;
	s26 =	simm.s32 $0x4100  }
0x11: {  	s2 =	simm.s32 $0x1;
	s0 =	sadd.s32 $0x10, s0;
	s30 =	sadd.s32 $0x310, s7  }
0x12: {  	s10 =	sadd.s32 $0x620, s7;
	s11 =	sadd.s32 $0x930, s7;
	s12 =	sadd.s32 $0xC40, s7  }
0x13: {  	s13 =	sadd.s32 $0xF50, s7;
	s14 =	sadd.s32 $0x1260, s7;
	s15 =	sadd.s32 $0x1570, s7  }
0x14: {  	s16 =	sadd.s32 $0xC00, s16;
	s17 =	sadd.s32 $0x10C00, s17;
	[dreg:$0x6] =	wrdreg s0  }
0x15: {  	v0 =	vimm.f32 $0.0e+00;
	v1 =	vimm.f32 $1.000000000e+00;
	s18 =	smax.u32 s18, $0x1;
	[dreg:$0x7] =	wrdreg s30;
	s0 =	simm.s32 $0x3  }
.LBB2_1:
0x16: {  	s8 =	simm.s32 $0x8100  }
0x17: {  	[tilespmem:s8], [sflag:$0x3] =	stream.linear.gather [hbm4b:s5+s4], $0x4000, $0x38;
	[tilespmem:$0xDF00] =	vst v63  }
0x18: {  	_ = 	snop  }
0x19: {  	[tilespmem:s4], [sflag:$0x7] =	stream.linear.gather [hbm4b:s6+s4], $0x80, $0x38;
	[tilespmem:$0xDF00] =	vst v63  }
0x1a: {  	_ =	swait.ge [sflag:s20], $0x80  }
0x1b: {  	[sflag:s20] =	ssyncset.done $0x0  }
0x1c: {  	[sflag:s20] =	ssyncadd.s32 $0xFFFFFF80  }
0x1d: {  	v2 =	vld [tilespmem:$0x0]  }
0x1e: {  	v3 =	vld [tilespmem:$0x10]  }
0x1f: {  	v4 =	vld [tilespmem:$0x20]  }
0x20: {  	v5 =	vld [tilespmem:$0x30]  }
0x21: {  	v6 =	vld [tilespmem:$0x40]  }
0x22: {  	v7 =	vld [tilespmem:$0x50];
	v2 =	vadd.s32 $0xFFFFFFFF, v2  }
0x23: {  	[tilespmem:$0x80] =	vst v2;
	v2 =	vadd.s32 $0xFFFFFFFF, v3;
	v3 =	vld [tilespmem:$0x60]  }
0x24: {  	v63 =	vld [tilespmem:$0x70];
	[tilespmem:$0x90] =	vst v2;
	v2 =	vadd.s32 $0xFFFFFFFF, v4  }
0x25: {  	[tilespmem:$0xA0] =	vst v2;
	v2 =	vadd.s32 $0xFFFFFFFF, v5  }
0x26: {  	[tilespmem:$0xB0] =	vst v2;
	v2 =	vadd.s32 $0xFFFFFFFF, v6  }
0x27: {  	[tilespmem:$0xC0] =	vst v2;
	v2 =	vadd.s32 $0xFFFFFFFF, v7  }
0x28: {  	[tilespmem:$0xD0] =	vst v2;
	v2 =	vadd.s32 $0xFFFFFFFF, v3  }
0x29: {  	[tilespmem:$0xE0] =	vst v2;
	v2 =	vadd.s32 $0xFFFFFFFF, v63  }
0x2a: {  	s28 =	simm.s32 $0x100;
	[tilespmem:$0xF0] =	vst v2  }
0x2b: {  	[tilespmem:s28], [sflag:$0x1] =	stream.indirect.gather [hbm4b:s1+s21], $0x80, s22, s21, $0xb8;
	[tilespmem:$0xDF00] =	vst v63  }
.Ltmp0:
0x2c: {  	_ = 	snop;
	(pc) =	sbr.rel @p0 .LBB2_3-.Ltmp0, $4  }
0x2d: {  	s30 =	simm.s32 $0xC0;
	s9 =	simm.s32 $0x2100  }
0x2e: {  	[tilespmem:s9], [sflag:$0x2] =	stream.indirect.gather [hbm4b:s1+s21], $0x80, s30, s21, $0xb8;
	[tilespmem:$0xDF00] =	vst v63  }
0x2f: {  	_ = 	snop  }
0x30: {  	[tilespmem:s26], [sflag:$0x4] =	stream.indirect.gather [hbm4b:s1+s22], $0x80, s4, s22, $0xb8;
	[tilespmem:$0xDF00] =	vst v63  }
0x31: {  	[tilespmem:$0xDA00] =	vst v0  }
0x32: {  	[tilespmem:$0xDA10] =	vst v0  }
0x33: {  	[tilespmem:$0xDA20] =	vst v0  }
0x34: {  	[tilespmem:$0xDA30] =	vst v0  }
0x35: {  	[tilespmem:$0xDA40] =	vst v0  }
0x36: {  	[tilespmem:$0xDA50] =	vst v0  }
0x37: {  	[tilespmem:$0xDA60] =	vst v0  }
0x38: {  	[tilespmem:$0xDA70] =	vst v0  }
0x39: {  	[tilespmem:$0xDA80] =	vst v0  }
0x3a: {  	[tilespmem:$0xDA90] =	vst v0  }
0x3b: {  	[tilespmem:$0xDAA0] =	vst v0  }
0x3c: {  	[tilespmem:$0xDAB0] =	vst v0  }
0x3d: {  	[tilespmem:$0xDAC0] =	vst v0  }
0x3e: {  	[tilespmem:$0xDAD0] =	vst v0  }
0x3f: {  	[tilespmem:$0xDAE0] =	vst v0  }
0x40: {  	[tilespmem:$0xDAF0] =	vst v0  }
0x41: {  	[tilespmem:$0xDB00] =	vst v0  }
0x42: {  	[tilespmem:$0xDB10] =	vst v0  }
0x43: {  	[tilespmem:$0xDB20] =	vst v0  }
0x44: {  	[tilespmem:$0xDB30] =	vst v0  }
0x45: {  	[tilespmem:$0xDB40] =	vst v0  }
0x46: {  	[tilespmem:$0xDB50] =	vst v0  }
0x47: {  	[tilespmem:$0xDB60] =	vst v0  }
0x48: {  	[tilespmem:$0xDB70] =	vst v0  }
0x49: {  	[tilespmem:$0xDB80] =	vst v0  }
0x4a: {  	[tilespmem:$0xDB90] =	vst v0  }
0x4b: {  	[tilespmem:$0xDBA0] =	vst v0  }
0x4c: {  	[tilespmem:$0xDBB0] =	vst v0  }
0x4d: {  	[tilespmem:$0xDBC0] =	vst v0  }
0x4e: {  	[tilespmem:$0xDBD0] =	vst v0  }
0x4f: {  	[tilespmem:$0xDBE0] =	vst v0  }
0x50: {  	[tilespmem:$0xDBF0] =	vst v0  }
0x51: {  	[tilespmem:$0xDC00] =	vst v0  }
0x52: {  	[tilespmem:$0xDC10] =	vst v0  }
0x53: {  	[tilespmem:$0xDC20] =	vst v0  }
0x54: {  	[tilespmem:$0xDC30] =	vst v0  }
0x55: {  	[tilespmem:$0xDC40] =	vst v0  }
0x56: {  	[tilespmem:$0xDC50] =	vst v0  }
0x57: {  	[tilespmem:$0xDC60] =	vst v0  }
0x58: {  	[tilespmem:$0xDC70] =	vst v0  }
0x59: {  	[tilespmem:$0xDC80] =	vst v0  }
0x5a: {  	[tilespmem:$0xDC90] =	vst v0  }
0x5b: {  	[tilespmem:$0xDCA0] =	vst v0  }
0x5c: {  	[tilespmem:$0xDCB0] =	vst v0  }
0x5d: {  	[tilespmem:$0xDCC0] =	vst v0  }
0x5e: {  	[tilespmem:$0xDCD0] =	vst v0  }
0x5f: {  	[tilespmem:$0xDCE0] =	vst v0  }
0x60: {  	[tilespmem:$0xDCF0] =	vst v0  }
0x61: {  	[tilespmem:$0xDD00] =	vst v0  }
0x62: {  	[tilespmem:$0xDE80] =	vst v1  }
0x63: {  	[tilespmem:$0xDE90] =	vst v1  }
0x64: {  	[tilespmem:$0xDEA0] =	vst v1  }
0x65: {  	[tilespmem:$0xDEB0] =	vst v1  }
0x66: {  	[tilespmem:$0xDEC0] =	vst v1  }
0x67: {  	[tilespmem:$0xDED0] =	vst v1  }
0x68: {  	[tilespmem:$0xDEE0] =	vst v1  }
0x69: {  	[tilespmem:$0xDEF0] =	vst v1;
	s8 =	rddreg [dreg:$0x6];
	s9 =	simm.s32 $0xDD80  }
0x6a: {  	[tilespmem:s9], [sflag:$0x7] =	stream.linear.gather [hbm4b:s8+s4], $0x80, $0x38;
	[tilespmem:$0xDF00] =	vst v63  }
0x6b: {  	_ =	swait.ge [sflag:s20], $0x80  }
0x6c: {  	[sflag:s20] =	ssyncset.done $0x0  }
0x6d: {  	[sflag:s20] =	ssyncadd.s32 $0xFFFFFF80  }
0x6e: {  	[spmem:s7] =	stream.linear.scatter [tilespmem:s29], [sflag:$0x7], $0x310, $0x38;
	[tilespmem:$0xDF00] =	vst v63  }
0x6f: {  	_ =	swait.ge [sflag:s20], $0x310  }
0x70: {  	[sflag:s20] =	ssyncset.done $0x0  }
0x71: {  	s28 =	rddreg [dreg:$0x7];
	[sflag:s20] =	ssyncadd.s32 $0xFFFFFCF0  }
0x72: {  	[spmem:s28] =	stream.linear.scatter [tilespmem:s29], [sflag:$0x7], $0x310, $0x38;
	[tilespmem:$0xDF00] =	vst v63  }
0x73: {  	_ =	swait.ge [sflag:s20], $0x310  }
0x74: {  	[sflag:s20] =	ssyncset.done $0x0  }
0x75: {  	[sflag:s20] =	ssyncadd.s32 $0xFFFFFCF0  }
0x76: {  	[spmem:s10] =	stream.linear.scatter [tilespmem:s29], [sflag:$0x7], $0x310, $0x38;
	[tilespmem:$0xDF00] =	vst v63  }
0x77: {  	_ =	swait.ge [sflag:s20], $0x310  }
0x78: {  	[sflag:s20] =	ssyncset.done $0x0  }
0x79: {  	[sflag:s20] =	ssyncadd.s32 $0xFFFFFCF0  }
0x7a: {  	[spmem:s11] =	stream.linear.scatter [tilespmem:s29], [sflag:$0x7], $0x310, $0x38;
	[tilespmem:$0xDF00] =	vst v63  }
0x7b: {  	_ =	swait.ge [sflag:s20], $0x310  }
0x7c: {  	[sflag:s20] =	ssyncset.done $0x0  }
0x7d: {  	[sflag:s20] =	ssyncadd.s32 $0xFFFFFCF0  }
0x7e: {  	[spmem:s12] =	stream.linear.scatter [tilespmem:s29], [sflag:$0x7], $0x310, $0x38;
	[tilespmem:$0xDF00] =	vst v63  }
0x7f: {  	_ =	swait.ge [sflag:s20], $0x310  }
0x80: {  	[sflag:s20] =	ssyncset.done $0x0  }
0x81: {  	[sflag:s20] =	ssyncadd.s32 $0xFFFFFCF0  }
0x82: {  	[spmem:s13] =	stream.linear.scatter [tilespmem:s29], [sflag:$0x7], $0x310, $0x38;
	[tilespmem:$0xDF00] =	vst v63  }
0x83: {  	_ =	swait.ge [sflag:s20], $0x310  }
0x84: {  	[sflag:s20] =	ssyncset.done $0x0  }
0x85: {  	[sflag:s20] =	ssyncadd.s32 $0xFFFFFCF0  }
0x86: {  	[spmem:s14] =	stream.linear.scatter [tilespmem:s29], [sflag:$0x7], $0x310, $0x38;
	[tilespmem:$0xDF00] =	vst v63  }
0x87: {  	_ =	swait.ge [sflag:s20], $0x310  }
0x88: {  	[sflag:s20] =	ssyncset.done $0x0  }
0x89: {  	[sflag:s20] =	ssyncadd.s32 $0xFFFFFCF0  }
0x8a: {  	[spmem:s15] =	stream.linear.scatter [tilespmem:s29], [sflag:$0x7], $0x310, $0x38;
	[tilespmem:$0xDF00] =	vst v63  }
0x8b: {  	_ =	swait.ge [sflag:s20], $0x310  }
0x8c: {  	[sflag:s20] =	ssyncset.done $0x0  }
0x8d: {  	[sflag:s20] =	ssyncadd.s32 $0xFFFFFCF0  }
0x8e: {  	s30 =	simm.s32 $0xDE80;
	[bflag:$0x0] =	sbarrier.arrive $0xFFFF  }
0x8f: {  	[spmem:s3] =	stream.indirect.scatter.add.f32 [tilespmem:s30], [sflag:$0x7], $0x1, s4, s22, $0xb8;
	[tilespmem:$0xDF00] =	vst v63  }
0x90: {  	_ =	swait.ge [sflag:s20], $0x80  }
0x91: {  	[sflag:s20] =	ssyncset.done $0x0  }
0x92: {  	[sflag:s20] =	ssyncadd.s32 $0xFFFFFF80  }
0x93: {  	[spmem:s3] =	stream.indirect.scatter.add.f32 [tilespmem:s30], [sflag:$0x7], $0x1, s9, s22, $0xb8;
	[tilespmem:$0xDF00] =	vst v63  }
0x94: {  	_ =	swait.ge [sflag:s20], $0x80  }
0x95: {  	[sflag:s20] =	ssyncset.done $0x0  }
0x96: {  	[sflag:s20] =	ssyncadd.s32 $0xFFFFFF80  }
0x97: {  	[bflag:$0x0] =	sbarrier.arrive $0xFFFF  }
.LBB2_3:
0x98: {  	_ =	swait.ge [sflag:s31], $0x4000  }
0x99: {  	[sflag:s31] =	ssyncset.done $0x0  }
0x9a: {  	s28 =	simm.s32 $0x0;
	[sflag:s31] =	ssyncadd.s32 $0xFFFFC000  }
0x9b: {  	[hbm4b:s16+s28] =	stream.linear.scatter [tilespmem:s26], [sflag:$0x5], $0x4000, $0x38;
	[tilespmem:$0xDF00] =	vst v63  }
0x9c: {  	_ =	swait.ge [sflag:s0], $0x4000  }
0x9d: {  	[sflag:s0] =	ssyncset.done $0x0  }
0x9e: {  	[sflag:s0] =	ssyncadd.s32 $0xFFFFC000  }
0x9f: {  	_ =	swait.ge [sflag:s2], $0x2000  }
0xa0: {  	[sflag:s2] =	ssyncset.done $0x0  }
0xa1: {  	s30 =	simm.s32 $0x0;
	[sflag:s2] =	ssyncadd.s32 $0xFFFFE000  }
0xa2: {  	v2 =	vld [tilespmem:s30+$0x8100]  }
0xa3: {  	v3 =	vld [tilespmem:s30+$0x100]  }
0xa4: {  	v4 =	vld [tilespmem:s30+$0x8110]  }
0xa5: {  	v5 =	vld [tilespmem:s30+$0x110]  }
0xa6: {  	v6 =	vld [tilespmem:s30+$0x8120]  }
0xa7: {  	v7 =	vld [tilespmem:s30+$0x120]  }
0xa8: {  	v8 =	vld [tilespmem:s30+$0x130];
	v2 =	vsub.f32 v2, v3  }
0xa9: {  	v3 =	vld [tilespmem:s30+$0x8130]  }
0xaa: {  	v10 =	vld [tilespmem:s30+$0x140];
	v4 =	vsub.f32 v4, v5;
	v2 =	vmul.f32 v2, v2  }
0xab: {  	v9 =	vimm.f32 $0.0e+00;
	v5 =	vld [tilespmem:s30+$0x8140]  }
0xac: {  	v6 =	vsub.f32 v6, v7;
	v7 =	vld [tilespmem:s30+$0x8150];
	v4 =	vmul.f32 v4, v4;
	v2 =	vadd.f32 v2, v9  }
0xad: {  	v9 =	vld [tilespmem:s30+$0x150]  }
0xae: {  	v3 =	vsub.f32 v3, v8;
	v8 =	vld [tilespmem:s30+$0x160];
	v2 =	vadd.f32 v4, v2;
	v4 =	vmul.f32 v6, v6  }
0xaf: {  	v6 =	vld [tilespmem:s30+$0x8160]  }
0xb0: {  	v3 =	vmul.f32 v3, v3;
	v2 =	vadd.f32 v4, v2;
	v4 =	vsub.f32 v5, v10;
	v5 =	vld [tilespmem:s30+$0x8170]  }
0xb1: {  	v10 =	vld [tilespmem:s30+$0x170]  }
0xb2: {  	v2 =	vadd.f32 v3, v2;
	v3 =	vmul.f32 v4, v4;
	v4 =	vsub.f32 v7, v9;
	v7 =	vld [tilespmem:s30+$0x8180]  }
0xb3: {  	v9 =	vld [tilespmem:s30+$0x180]  }
0xb4: {  	v2 =	vadd.f32 v3, v2;
	v3 =	vmul.f32 v4, v4;
	v4 =	vsub.f32 v6, v8;
	v6 =	vld [tilespmem:s30+$0x8190]  }
0xb5: {  	v8 =	vld [tilespmem:s30+$0x190]  }
0xb6: {  	v2 =	vadd.f32 v3, v2;
	v3 =	vmul.f32 v4, v4;
	v4 =	vsub.f32 v5, v10;
	v5 =	vld [tilespmem:s30+$0x81A0]  }
0xb7: {  	v10 =	vld [tilespmem:s30+$0x1A0]  }
0xb8: {  	v2 =	vadd.f32 v3, v2;
	v3 =	vmul.f32 v4, v4;
	v4 =	vsub.f32 v7, v9;
	v7 =	vld [tilespmem:s30+$0x81B0]  }
0xb9: {  	v9 =	vld [tilespmem:s30+$0x1B0]  }
0xba: {  	v2 =	vadd.f32 v3, v2;
	v3 =	vmul.f32 v4, v4;
	v4 =	vsub.f32 v6, v8;
	v6 =	vld [tilespmem:s30+$0x81C0]  }
0xbb: {  	v8 =	vld [tilespmem:s30+$0x1C0]  }
0xbc: {  	v11 =	vld [tilespmem:s30+$0x1D0];
	v2 =	vadd.f32 v3, v2;
	v3 =	vmul.f32 v4, v4;
	v4 =	vsub.f32 v5, v10  }
0xbd: {  	v10 =	vld [tilespmem:s30+$0x81D0]  }
0xbe: {  	v5 =	vld [tilespmem:s30+$0x1E0];
	v7 =	vsub.f32 v7, v9;
	v3 =	vadd.f32 v3, v2;
	v4 =	vmul.f32 v4, v4  }
0xbf: {  	v2 =	vld [tilespmem:s30+$0x81E0]  }
0xc0: {  	v7 =	vmul.f32 v7, v7;
	v8 =	vsub.f32 v6, v8;
	v6 =	vld [tilespmem:s30+$0x1F0];
	v9 =	vadd.f32 v4, v3  }
0xc1: {  	s28 =	simm.s32 $0x100;
	v3 =	vld [tilespmem:s30+$0x81F0]  }
0xc2: {  	v4 =	vld [tilespmem:s28+$0x8100];
	s30 =	simm.s32 $0x800;
	v8 =	vmul.f32 v8, v8;
	v7 =	vadd.f32 v7, v9;
	v9 =	vsub.f32 v10, v11  }
.LBB2_4:
0xc3: {  	p1 =	sne.s32 s30, $0x7C00;
	v10 =	vld [tilespmem:s28+$0x100]  }
0xc4: {  	v11 =	vld [tilespmem:s28+$0x8110];
	v7 =	vadd.f32 v8, v7;
	v8 =	vmul.f32 v9, v9;
	v2 =	vsub.f32 v2, v5  }
0xc5: {  	v5 =	vld [tilespmem:s28+$0x110]  }
0xc6: {  	v9 =	vld [tilespmem:s28+$0x8120];
	v7 =	vadd.f32 v8, v7;
	v2 =	vmul.f32 v2, v2;
	v3 =	vsub.f32 v3, v6  }
0xc7: {  	v6 =	vld [tilespmem:s28+$0x120]  }
0xc8: {  	v4 =	vsub.f32 v4, v10;
	v8 =	vld [tilespmem:s28+$0x8130];
	v2 =	vadd.f32 v2, v7;
	v3 =	vmul.f32 v3, v3  }
0xc9: {  	v7 =	vld [tilespmem:s28+$0x130]  }
0xca: {  	v4 =	vmul.f32 v4, v4;
	v5 =	vsub.f32 v11, v5;
	v10 =	vld [tilespmem:s28+$0x8140];
	v2 =	vadd.f32 v3, v2  }
0xcb: {  	v3 =	vld [tilespmem:s28+$0x140]  }
0xcc: {  	v2 =	vadd.f32 v4, v2;
	v4 =	vmul.f32 v5, v5;
	v5 =	vsub.f32 v9, v6;
	v6 =	vld [tilespmem:s28+$0x8150]  }
0xcd: {  	v9 =	vld [tilespmem:s28+$0x150]  }
0xce: {  	v2 =	vadd.f32 v4, v2;
	v4 =	vmul.f32 v5, v5;
	v5 =	vsub.f32 v8, v7;
	v7 =	vld [tilespmem:s28+$0x8160]  }
0xcf: {  	v8 =	vld [tilespmem:s28+$0x160]  }
0xd0: {  	v2 =	vadd.f32 v4, v2;
	v4 =	vmul.f32 v5, v5;
	v3 =	vsub.f32 v10, v3;
	v5 =	vld [tilespmem:s28+$0x8170]  }
0xd1: {  	v10 =	vld [tilespmem:s28+$0x170]  }
0xd2: {  	v2 =	vadd.f32 v4, v2;
	v3 =	vmul.f32 v3, v3;
	v4 =	vsub.f32 v6, v9;
	v6 =	vld [tilespmem:s28+$0x8180]  }
0xd3: {  	v9 =	vld [tilespmem:s28+$0x180]  }
0xd4: {  	v2 =	vadd.f32 v3, v2;
	v3 =	vmul.f32 v4, v4;
	v4 =	vsub.f32 v7, v8;
	v7 =	vld [tilespmem:s28+$0x8190]  }
0xd5: {  	v8 =	vld [tilespmem:s28+$0x190]  }
0xd6: {  	v2 =	vadd.f32 v3, v2;
	v3 =	vmul.f32 v4, v4;
	v4 =	vsub.f32 v5, v10;
	v5 =	vld [tilespmem:s28+$0x81A0]  }
0xd7: {  	v10 =	vld [tilespmem:s28+$0x1A0]  }
0xd8: {  	v2 =	vadd.f32 v3, v2;
	v3 =	vmul.f32 v4, v4;
	v4 =	vsub.f32 v6, v9;
	v6 =	vld [tilespmem:s28+$0x81B0]  }
0xd9: {  	v9 =	vld [tilespmem:s28+$0x1B0]  }
0xda: {  	v2 =	vadd.f32 v3, v2;
	v3 =	vmul.f32 v4, v4;
	v4 =	vsub.f32 v7, v8;
	v7 =	vld [tilespmem:s28+$0x81C0]  }
0xdb: {  	v8 =	vld [tilespmem:s28+$0x1C0]  }
0xdc: {  	v2 =	vadd.f32 v3, v2;
	v3 =	vmul.f32 v4, v4;
	v4 =	vsub.f32 v5, v10;
	v10 =	vld [tilespmem:s28+$0x81D0]  }
0xdd: {  	v11 =	vld [tilespmem:s28+$0x1D0]  }
.Ltmp1:
0xde: {  	v3 =	vadd.f32 v3, v2;
	v4 =	vmul.f32 v4, v4;
	v6 =	vsub.f32 v6, v9;
	v2 =	vld [tilespmem:s28+$0x81E0];
	(pc) =	sbr.rel @p1 .LBB2_4-.Ltmp1, $4  }
0xdf: {  	v5 =	vld [tilespmem:s28+$0x1E0]  }
0xe0: {  	v9 =	vadd.f32 v4, v3;
	v12 =	vmul.f32 v6, v6;
	v8 =	vsub.f32 v7, v8;
	v3 =	vld [tilespmem:s28+$0x81F0]  }
0xe1: {  	v6 =	vld [tilespmem:s28+$0x1F0];
	s28 =	sshra.s32 s30, $0x2  }
0xe2: {  	s30 =	sadd.s32 $0x400, s30;
	v4 =	vld [tilespmem:s28+$0x8100];
	v7 =	vadd.f32 v12, v9;
	v8 =	vmul.f32 v8, v8;
	v9 =	vsub.f32 v10, v11  }
0xe3: {  	v10 =	vld [tilespmem:s28+$0x100]  }
0xe4: {  	v11 =	vld [tilespmem:s28+$0x8110]  }
0xe5: {  	v12 =	vld [tilespmem:s28+$0x110]  }
0xe6: {  	v13 =	vld [tilespmem:s28+$0x8120];
	v7 =	vadd.f32 v8, v7;
	v8 =	vmul.f32 v9, v9;
	v2 =	vsub.f32 v2, v5  }
0xe7: {  	v59 =	vld [tilespmem:s28+$0x8160]  }
0xe8: {  	v60 =	vld [tilespmem:s28+$0x8170];
	v7 =	vadd.f32 v8, v7;
	v2 =	vmul.f32 v2, v2;
	v3 =	vsub.f32 v3, v6  }
0xe9: {  	v5 =	vld [tilespmem:s28+$0x120]  }
0xea: {  	v9 =	vld [tilespmem:s28+$0x8130];
	v4 =	vsub.f32 v4, v10;
	v2 =	vadd.f32 v2, v7;
	v3 =	vmul.f32 v3, v3  }
0xeb: {  	v6 =	vld [tilespmem:s28+$0x130]  }
0xec: {  	v8 =	vld [tilespmem:s28+$0x8140];
	v11 =	vsub.f32 v11, v12;
	v4 =	vmul.f32 v4, v4;
	v2 =	vadd.f32 v3, v2  }
0xed: {  	v7 =	vld [tilespmem:s28+$0x140]  }
0xee: {  	v10 =	vld [tilespmem:s28+$0x8150];
	v5 =	vsub.f32 v13, v5;
	v2 =	vadd.f32 v4, v2;
	v4 =	vmul.f32 v11, v11  }
0xef: {  	v3 =	vld [tilespmem:s28+$0x150]  }
0xf0: {  	v61 =	vld [tilespmem:s28+$0x81B0];
	v2 =	vadd.f32 v4, v2;
	v4 =	vmul.f32 v5, v5;
	v5 =	vsub.f32 v9, v6  }
0xf1: {  	v11 =	vld [tilespmem:s28+$0x160]  }
0xf2: {  	v62 =	vld [tilespmem:s28+$0x81C0];
	v2 =	vadd.f32 v4, v2;
	v4 =	vmul.f32 v5, v5;
	v5 =	vsub.f32 v8, v7  }
0xf3: {  	v6 =	vld [tilespmem:s28+$0x170]  }
0xf4: {  	v9 =	vld [tilespmem:s28+$0x8180];
	v3 =	vsub.f32 v10, v3;
	v2 =	vadd.f32 v4, v2;
	v4 =	vmul.f32 v5, v5  }
0xf5: {  	v7 =	vld [tilespmem:s28+$0x180]  }
0xf6: {  	v8 =	vld [tilespmem:s28+$0x8190];
	v3 =	vmul.f32 v3, v3;
	v2 =	vadd.f32 v4, v2;
	v4 =	vsub.f32 v59, v11  }
0xf7: {  	v5 =	vld [tilespmem:s28+$0x190]  }
0xf8: {  	v10 =	vld [tilespmem:s28+$0x81A0];
	v2 =	vadd.f32 v3, v2;
	v3 =	vmul.f32 v4, v4;
	v4 =	vsub.f32 v60, v6  }
0xf9: {  	v11 =	vld [tilespmem:s28+$0x1A0]  }
0xfa: {  	v6 =	vld [tilespmem:s28+$0x1B0];
	v2 =	vadd.f32 v3, v2;
	v3 =	vmul.f32 v4, v4;
	v4 =	vsub.f32 v9, v7  }
0xfb: {  	v7 =	vld [tilespmem:s28+$0x1C0]  }
0xfc: {  	v9 =	vld [tilespmem:s28+$0x81D0];
	v2 =	vadd.f32 v3, v2;
	v3 =	vmul.f32 v4, v4;
	v4 =	vsub.f32 v8, v5  }
0xfd: {  	v5 =	vld [tilespmem:s28+$0x1D0]  }
0xfe: {  	v8 =	vld [tilespmem:s28+$0x81E0];
	v2 =	vadd.f32 v3, v2;
	v3 =	vmul.f32 v4, v4;
	v4 =	vsub.f32 v10, v11  }
0xff: {  	v10 =	vld [tilespmem:s28+$0x1E0]  }
0x100: {  	v11 =	vld [tilespmem:s28+$0x81F0];
	v2 =	vadd.f32 v3, v2;
	v3 =	vmul.f32 v4, v4;
	v4 =	vsub.f32 v61, v6  }
0x101: {  	v6 =	vld [tilespmem:s28+$0x1F0];
	_ =	swait.ge [sflag:s19], $0x2000  }
0x102: {  	[sflag:s19] =	ssyncset.done $0x0;
	v2 =	vadd.f32 v3, v2;
	v3 =	vmul.f32 v4, v4;
	v4 =	vsub.f32 v62, v7  }
0x103: {  	s30 =	simm.s32 $0x0;
	[sflag:s19] =	ssyncadd.s32 $0xFFFFE000  }
0x104: {  	v7 =	vld [tilespmem:s30+$0x2100];
	v2 =	vadd.f32 v3, v2;
	v3 =	vmul.f32 v4, v4;
	v4 =	vsub.f32 v9, v5  }
0x105: {  	v5 =	vld [tilespmem:s30+$0xA100]  }
0x106: {  	v9 =	vld [tilespmem:s30+$0x2110];
	v2 =	vadd.f32 v3, v2;
	v3 =	vmul.f32 v4, v4;
	v4 =	vsub.f32 v8, v10  }
0x107: {  	v8 =	vld [tilespmem:s30+$0xA110]  }
0x108: {  	v10 =	vld [tilespmem:s30+$0x2120];
	v2 =	vadd.f32 v3, v2;
	v3 =	vmul.f32 v4, v4;
	v4 =	vsub.f32 v11, v6  }
0x109: {  	v6 =	vld [tilespmem:s30+$0xA120]  }
0x10a: {  	v2 =	vadd.f32 v3, v2;
	v3 =	vmul.f32 v4, v4;
	v4 =	vsub.f32 v5, v7;
	v5 =	vld [tilespmem:s30+$0xA130]  }
0x10b: {  	v7 =	vld [tilespmem:s30+$0x2130]  }
0x10c: {  	v2 =	vadd.f32 v3, v2;
	v3 =	vmul.f32 v4, v4;
	v4 =	vsub.f32 v8, v9;
	v8 =	vld [tilespmem:s30+$0xA140]  }
0x10d: {  	v9 =	vld [tilespmem:s30+$0x2140]  }
0x10e: {  	v2 =	vadd.f32 v3, v2;
	v3 =	vmul.f32 v4, v4;
	v4 =	vsub.f32 v6, v10;
	v6 =	vld [tilespmem:s30+$0xA150]  }
0x10f: {  	v10 =	vld [tilespmem:s30+$0x2150]  }
0x110: {  	v2 =	vadd.f32 v3, v2;
	v3 =	vmul.f32 v4, v4;
	v4 =	vsub.f32 v5, v7;
	v5 =	vld [tilespmem:s30+$0xA160]  }
0x111: {  	v7 =	vld [tilespmem:s30+$0x2160]  }
0x112: {  	v2 =	vadd.f32 v3, v2;
	v3 =	vmul.f32 v4, v4;
	v4 =	vsub.f32 v8, v9;
	v8 =	vld [tilespmem:s30+$0xA170]  }
0x113: {  	v9 =	vld [tilespmem:s30+$0x2170]  }
0x114: {  	v2 =	vadd.f32 v3, v2;
	v3 =	vmul.f32 v4, v4;
	v4 =	vsub.f32 v6, v10;
	v6 =	vld [tilespmem:s30+$0xA180]  }
0x115: {  	v10 =	vld [tilespmem:s30+$0x2180]  }
0x116: {  	v2 =	vadd.f32 v3, v2;
	v3 =	vmul.f32 v4, v4;
	v4 =	vsub.f32 v5, v7;
	v5 =	vld [tilespmem:s30+$0xA190]  }
0x117: {  	v7 =	vld [tilespmem:s30+$0x2190]  }
0x118: {  	v2 =	vadd.f32 v3, v2;
	v3 =	vmul.f32 v4, v4;
	v4 =	vsub.f32 v8, v9;
	v8 =	vld [tilespmem:s30+$0xA1A0]  }
0x119: {  	v9 =	vld [tilespmem:s30+$0x21A0]  }
0x11a: {  	v2 =	vadd.f32 v3, v2;
	v3 =	vmul.f32 v4, v4;
	v4 =	vsub.f32 v6, v10;
	v6 =	vld [tilespmem:s30+$0xA1B0]  }
0x11b: {  	v10 =	vld [tilespmem:s30+$0x21B0]  }
0x11c: {  	v11 =	vld [tilespmem:s30+$0x21C0];
	v2 =	vadd.f32 v3, v2;
	v3 =	vmul.f32 v4, v4;
	v4 =	vsub.f32 v5, v7  }
0x11d: {  	v7 =	vld [tilespmem:s30+$0xA1C0]  }
0x11e: {  	v63 =	vld [tilespmem:s30+$0x21D0];
	v2 =	vadd.f32 v3, v2;
	v3 =	vmul.f32 v4, v4;
	v4 =	vsub.f32 v8, v9  }
0x11f: {  	v8 =	vld [tilespmem:s30+$0xA1D0]  }
0x120: {  	v5 =	vld [tilespmem:s30+$0x21E0];
	v6 =	vsub.f32 v6, v10;
	v2 =	vadd.f32 v3, v2;
	v4 =	vmul.f32 v4, v4  }
0x121: {  	v3 =	vld [tilespmem:s30+$0xA1E0]  }
0x122: {  	v10 =	vmul.f32 v6, v6;
	v11 =	vsub.f32 v7, v11;
	v6 =	vld [tilespmem:s30+$0x21F0];
	v9 =	vadd.f32 v4, v2  }
0x123: {  	s28 =	simm.s32 $0x100;
	v2 =	vld [tilespmem:s30+$0xA1F0]  }
0x124: {  	v4 =	vld [tilespmem:s28+$0xA100];
	s30 =	simm.s32 $0x800;
	v8 =	vsub.f32 v8, v63;
	v7 =	vadd.f32 v10, v9;
	v9 =	vmul.f32 v11, v11  }
.LBB2_6:
0x125: {  	p1 =	sne.s32 s30, $0x7C00;
	v10 =	vld [tilespmem:s28+$0x2100]  }
0x126: {  	v11 =	vld [tilespmem:s28+$0xA110];
	v7 =	vadd.f32 v9, v7;
	v8 =	vmul.f32 v8, v8;
	v3 =	vsub.f32 v3, v5  }
0x127: {  	v5 =	vld [tilespmem:s28+$0x2110]  }
0x128: {  	v9 =	vld [tilespmem:s28+$0xA120];
	v7 =	vadd.f32 v8, v7;
	v3 =	vmul.f32 v3, v3;
	v2 =	vsub.f32 v2, v6  }
0x129: {  	v6 =	vld [tilespmem:s28+$0x2120]  }
0x12a: {  	v4 =	vsub.f32 v4, v10;
	v8 =	vld [tilespmem:s28+$0xA130];
	v3 =	vadd.f32 v3, v7;
	v2 =	vmul.f32 v2, v2  }
0x12b: {  	v7 =	vld [tilespmem:s28+$0x2130]  }
0x12c: {  	v4 =	vmul.f32 v4, v4;
	v5 =	vsub.f32 v11, v5;
	v10 =	vld [tilespmem:s28+$0xA140];
	v2 =	vadd.f32 v2, v3  }
0x12d: {  	v3 =	vld [tilespmem:s28+$0x2140]  }
0x12e: {  	v2 =	vadd.f32 v4, v2;
	v4 =	vmul.f32 v5, v5;
	v5 =	vsub.f32 v9, v6;
	v6 =	vld [tilespmem:s28+$0xA150]  }
0x12f: {  	v9 =	vld [tilespmem:s28+$0x2150]  }
0x130: {  	v2 =	vadd.f32 v4, v2;
	v4 =	vmul.f32 v5, v5;
	v5 =	vsub.f32 v8, v7;
	v7 =	vld [tilespmem:s28+$0xA160]  }
0x131: {  	v8 =	vld [tilespmem:s28+$0x2160]  }
0x132: {  	v2 =	vadd.f32 v4, v2;
	v4 =	vmul.f32 v5, v5;
	v3 =	vsub.f32 v10, v3;
	v5 =	vld [tilespmem:s28+$0xA170]  }
0x133: {  	v10 =	vld [tilespmem:s28+$0x2170]  }
0x134: {  	v2 =	vadd.f32 v4, v2;
	v3 =	vmul.f32 v3, v3;
	v4 =	vsub.f32 v6, v9;
	v6 =	vld [tilespmem:s28+$0xA180]  }
0x135: {  	v9 =	vld [tilespmem:s28+$0x2180]  }
0x136: {  	v2 =	vadd.f32 v3, v2;
	v3 =	vmul.f32 v4, v4;
	v4 =	vsub.f32 v7, v8;
	v7 =	vld [tilespmem:s28+$0xA190]  }
0x137: {  	v8 =	vld [tilespmem:s28+$0x2190]  }
0x138: {  	v2 =	vadd.f32 v3, v2;
	v3 =	vmul.f32 v4, v4;
	v4 =	vsub.f32 v5, v10;
	v5 =	vld [tilespmem:s28+$0xA1A0]  }
0x139: {  	v10 =	vld [tilespmem:s28+$0x21A0]  }
0x13a: {  	v2 =	vadd.f32 v3, v2;
	v3 =	vmul.f32 v4, v4;
	v4 =	vsub.f32 v6, v9;
	v6 =	vld [tilespmem:s28+$0xA1B0]  }
0x13b: {  	v9 =	vld [tilespmem:s28+$0x21B0]  }
0x13c: {  	v2 =	vadd.f32 v3, v2;
	v3 =	vmul.f32 v4, v4;
	v4 =	vsub.f32 v7, v8;
	v7 =	vld [tilespmem:s28+$0xA1C0]  }
0x13d: {  	v8 =	vld [tilespmem:s28+$0x21C0]  }
0x13e: {  	v2 =	vadd.f32 v3, v2;
	v3 =	vmul.f32 v4, v4;
	v4 =	vsub.f32 v5, v10;
	v10 =	vld [tilespmem:s28+$0xA1D0]  }
0x13f: {  	v11 =	vld [tilespmem:s28+$0x21D0]  }
.Ltmp2:
0x140: {  	v2 =	vadd.f32 v3, v2;
	v4 =	vmul.f32 v4, v4;
	v6 =	vsub.f32 v6, v9;
	v3 =	vld [tilespmem:s28+$0xA1E0];
	(pc) =	sbr.rel @p1 .LBB2_6-.Ltmp2, $4  }
0x141: {  	v5 =	vld [tilespmem:s28+$0x21E0]  }
0x142: {  	v9 =	vadd.f32 v4, v2;
	v12 =	vmul.f32 v6, v6;
	v8 =	vsub.f32 v7, v8;
	v2 =	vld [tilespmem:s28+$0xA1F0]  }
0x143: {  	v6 =	vld [tilespmem:s28+$0x21F0];
	s28 =	sshra.s32 s30, $0x2  }
0x144: {  	s30 =	sadd.s32 $0x400, s30;
	v4 =	vld [tilespmem:s28+$0xA100];
	v7 =	vadd.f32 v12, v9;
	v9 =	vmul.f32 v8, v8;
	v8 =	vsub.f32 v10, v11  }
0x145: {  	v10 =	vld [tilespmem:s28+$0x2100]  }
0x146: {  	v11 =	vld [tilespmem:s28+$0xA110]  }
0x147: {  	v12 =	vld [tilespmem:s28+$0x2110]  }
0x148: {  	v13 =	vld [tilespmem:s28+$0xA120]  }
0x149: {  	v14 =	vld [tilespmem:s28+$0x2120]  }
0x14a: {  	v15 =	vld [tilespmem:s28+$0xA130]  }
0x14b: {  	v16 =	vld [tilespmem:s28+$0x2130]  }
0x14c: {  	v17 =	vld [tilespmem:s28+$0xA140]  }
0x14d: {  	v18 =	vld [tilespmem:s28+$0x2140]  }
0x14e: {  	v19 =	vld [tilespmem:s28+$0xA150]  }
0x14f: {  	v20 =	vld [tilespmem:s28+$0x2150]  }
0x150: {  	v21 =	vld [tilespmem:s28+$0xA160]  }
0x151: {  	v22 =	vld [tilespmem:s28+$0x2160]  }
0x152: {  	v23 =	vld [tilespmem:s28+$0xA170]  }
0x153: {  	v24 =	vld [tilespmem:s28+$0x2170]  }
0x154: {  	v25 =	vld [tilespmem:s28+$0xA180]  }
0x155: {  	v26 =	vld [tilespmem:s28+$0x2180]  }
0x156: {  	v27 =	vld [tilespmem:s28+$0xA190]  }
0x157: {  	v28 =	vld [tilespmem:s28+$0x2190]  }
0x158: {  	v29 =	vld [tilespmem:s28+$0xA1A0]  }
0x159: {  	v30 =	vld [tilespmem:s28+$0x21A0]  }
0x15a: {  	v31 =	vld [tilespmem:s28+$0xA1B0]  }
0x15b: {  	v32 =	vld [tilespmem:s28+$0x21B0]  }
0x15c: {  	v33 =	vld [tilespmem:s28+$0xA1C0]  }
0x15d: {  	v34 =	vld [tilespmem:s28+$0x21C0]  }
0x15e: {  	v35 =	vld [tilespmem:s28+$0xA1D0]  }
0x15f: {  	v36 =	vld [tilespmem:s28+$0x21D0]  }
0x160: {  	v37 =	vld [tilespmem:s28+$0xA1E0]  }
0x161: {  	v38 =	vld [tilespmem:s28+$0x21E0]  }
0x162: {  	v39 =	vld [tilespmem:s28+$0xA1F0]  }
0x163: {  	v40 =	vld [tilespmem:s28+$0x21F0];
	s28 =	simm.s32 @!p0 $0x80;
	s30 =	simm.s32 @!p0 $0x0;
	s8 =	simm.s32 @!p0 $0xDE00  }
0x164: {  	[tilespmem:s8], [sflag:$0x6] =	stream.indirect.gather @!p0 [spmem:s3], $0x1, s30, s28, $0xb8;
	[tilespmem:$0xDF00] =	vst v63  }
0x165: {  	s30 =	simm.s32 @!p0 $0x6  }
0x166: {  	_ =	swait.ge @!p0 [sflag:s30], $0x80  }
0x167: {  	v7 =	vadd.f32 v9, v7;
	v3 =	vsub.f32 v3, v5;
	v9 =	vmul.f32 v8, v8;
	[sflag:s30] =	ssyncset.done @!p0 $0x0  }
0x168: {  	[sflag:s30] =	ssyncadd.s32 @!p0 $0xFFFFFF80  }
0x169: {  	v5 =	vadd.f32 v9, v7;
	v3 =	vmul.f32 v3, v3;
	v2 =	vsub.f32 v2, v6;
	v6 =	vld @!p0 [tilespmem:$0xDE00];
	_ =	sdelay $0x1  }
0x16a: {  	v3 =	vadd.f32 v3, v5;
	v2 =	vmul.f32 v2, v2;
	v5 =	vld @!p0 [tilespmem:$0xDE10]  }
0x16b: {  	v4 =	vsub.f32 v4, v10  }
0x16c: {  	v2 =	vadd.f32 v2, v3;
	v3 =	vld @!p0 [tilespmem:$0xDE20]  }
0x16d: {  	v11 =	vsub.f32 v11, v12;
	v4 =	vmul.f32 v4, v4;
	v6 =	vadd.f32 @!p0 $0.0e+00, v6  }
0x16e: {  	v13 =	vsub.f32 v13, v14;
	v8 =	vld @!p0 [tilespmem:$0xDE30]  }
0x16f: {  	v12 =	vmul.f32 v11, v11;
	v2 =	vadd.f32 v4, v2;
	v5 =	vadd.f32 @!p0 v5, v6  }
0x170: {  	v16 =	vsub.f32 v15, v16;
	v7 =	vld @!p0 [tilespmem:$0xDE40]  }
0x171: {  	v14 =	vmul.f32 v13, v13;
	v2 =	vadd.f32 v12, v2;
	v3 =	vadd.f32 @!p0 v3, v5  }
0x172: {  	v42 =	vsub.f32 v17, v18;
	v5 =	vld @!p0 [tilespmem:$0xDE50]  }
0x173: {  	s9 =	simm.s32 @!p0 $0xDD80;
	v9 =	vld @!p0 [tilespmem:$0xDE60];
	v41 =	vmul.f32 v16, v16;
	v2 =	vadd.f32 v14, v2;
	v3 =	vadd.f32 @!p0 v8, v3  }
0x174: {  	v43 =	vsub.f32 v19, v20;
	v8 =	vld @!p0 [tilespmem:$0xDE70];
	[tilespmem:s8], [sflag:$0x6] =	stream.indirect.gather @!p0 [spmem:s3], $0x1, s9, s28, $0xb8;
	[tilespmem:$0xDF00] =	vst v63  }
0x175: {  	v6 =	vmul.f32 v42, v42;
	v2 =	vadd.f32 v41, v2;
	_ =	swait.ge @!p0 [sflag:s30], $0x80;
	v3 =	vadd.f32 @!p0 v7, v3  }
0x176: {  	v44 =	vsub.f32 v21, v22;
	[sflag:s30] =	ssyncset.done @!p0 $0x0  }
0x177: {  	v4 =	vmul.f32 v43, v43;
	v2 =	vadd.f32 v6, v2;
	[sflag:s30] =	ssyncadd.s32 @!p0 $0xFFFFFF80;
	v3 =	vadd.f32 @!p0 v5, v3  }
0x178: {  	v46 =	vsub.f32 v23, v24;
	v6 =	vld @!p0 [tilespmem:$0xDE00]  }
0x179: {  	v45 =	vmul.f32 v44, v44;
	v2 =	vadd.f32 v4, v2;
	v3 =	vadd.f32 @!p0 v9, v3  }
0x17a: {  	v48 =	vsub.f32 v25, v26;
	v7 =	vld @!p0 [tilespmem:$0xDE10]  }
0x17b: {  	v47 =	vmul.f32 v46, v46;
	v2 =	vadd.f32 v45, v2;
	v3 =	vadd.f32 @!p0 v8, v3  }
0x17c: {  	v50 =	vsub.f32 v27, v28;
	v8 =	vld @!p0 [tilespmem:$0xDE20]  }
0x17d: {  	v49 =	vmul.f32 v48, v48;
	v2 =	vadd.f32 v47, v2;
	v3 =	vadd.f32 @!p0 v6, v3  }
0x17e: {  	v52 =	vsub.f32 v29, v30;
	v6 =	vld @!p0 [tilespmem:$0xDE30]  }
0x17f: {  	v51 =	vmul.f32 v50, v50;
	v2 =	vadd.f32 v49, v2;
	v3 =	vadd.f32 @!p0 v7, v3  }
0x180: {  	v54 =	vsub.f32 v31, v32;
	v7 =	vld @!p0 [tilespmem:$0xDE40]  }
0x181: {  	v53 =	vmul.f32 v52, v52;
	v2 =	vadd.f32 v51, v2;
	v3 =	vadd.f32 @!p0 v8, v3  }
0x182: {  	v56 =	vsub.f32 v33, v34;
	v8 =	vld @!p0 [tilespmem:$0xDE50]  }
0x183: {  	v55 =	vmul.f32 v54, v54;
	v2 =	vadd.f32 v53, v2;
	v3 =	vadd.f32 @!p0 v6, v3  }
0x184: {  	v58 =	vsub.f32 v35, v36;
	v6 =	vld @!p0 [tilespmem:$0xDE60]  }
0x185: {  	v57 =	vmul.f32 v56, v56;
	v2 =	vadd.f32 v55, v2;
	v3 =	vadd.f32 @!p0 v7, v3  }
0x186: {  	v60 =	vsub.f32 v37, v38;
	v5 =	vld @!p0 [tilespmem:$0xDE70]  }
0x187: {  	v59 =	vmul.f32 v58, v58;
	v2 =	vadd.f32 v57, v2;
	v3 =	vadd.f32 @!p0 v8, v3  }
0x188: {  	v62 =	vsub.f32 v39, v40  }
0x189: {  	v61 =	vmul.f32 v60, v60;
	v2 =	vadd.f32 v59, v2;
	v3 =	vadd.f32 @!p0 v6, v3;
	_ =	sdelay $0x1  }
0x18a: {  	v63 =	vmul.f32 v62, v62;
	v2 =	vadd.f32 v61, v2;
	v3 =	vadd.f32 @!p0 v5, v3;
	_ =	sdelay $0x1  }
0x18b: {  	v2 =	vadd.f32 v63, v2;
	v3 =	vmul.f32 @!p0 $-6.250000000e-02, v3;
	_ =	sdelay $0x1  }
0x18c: {  	v3 =	vadd.f32 @!p0 v3, v2;
	_ =	sdelay $0x1  }
0x18d: {  	v2 =	vpsel p0, v2, v3  }
0x18e: {  	s25 =	sadd.s32 $0x1, s25;
	[tilespmem:$0xC100] =	vst v2  }
0x18f: {  	[hbm4b:s17+s4] =	stream.linear.scatter [tilespmem:s23], [sflag:$0x7], $0x80, $0x38;
	[tilespmem:$0xDF00] =	vst v63  }
0x190: {  	p1 =	sne.s32 s25, s18;
	_ =	swait.ge [sflag:s20], $0x80  }
.Ltmp3:
0x191: {  	[sflag:s20] =	ssyncset.done $0x0;
	(pc) =	sbr.rel @p1 .LBB2_1-.Ltmp3, $4  }
0x192: {  	[sflag:s20] =	ssyncadd.s32 $0xFFFFFF80  }
0x193: {  	_ =	swait.ge [sflag:s24], $0x4000  }
0x194: {  	[sflag:s24] =	ssyncset.done $0x0  }
0x195: {  	[sflag:s24] =	ssyncadd.s32 $0xFFFFC000  }
0x196: {  	_ =	sfence.sel $0x180000  }
0x197: {  	[bflag:$0x0] =	sbarrier.arrive $0xFFFF  }
0x198: {  	_ =	strace $0x90000047  }
0x199: {  	s0 =	stileid.u32;
	[bflag:$0x2] =	sbarrier.arrive $0xFFFF  }
0x19a: {  	p0 =	sne.s32 s0, $0x0;
	s0 =	rddreg [dreg:$0x5]  }
0x19b: {  	s0 =	sadd.s32 @!p0 $0x100000, s0  }
0x19c: {  	[sflag:s0] =	ssyncadd.tile.s32 @!p0 $0x1;
	_ =	shalt  }
.Lfunc_end2:
_tile_overlayer_lowered:
.L_overlay_start_2:
0x19d: {  	(tag) =	ssettag $0x2  }
0x19e: {  	s0 =	rddreg [dreg:$0x0];
	s2 =	stileid.u32  }
0x19f: {  	s1 =	rddreg [dreg:$0x1];
	p0 =	sne.s32 s2, $0x0  }
0x1a0: {  	s3 =	rddreg [dreg:$0x2];
	[bflag:$0x3] =	sbarrier.arrive $0xFFFF;
	s2 =	simm.s32 @!p0 $0x1C07  }
0x1a1: {  	[timem:s3], [sflag:s2] =	dma.local @!p0 [hbm:s0], s1  }
0x1a2: {  	s0 =	simm.s32 @!p0 $0x7  }
0x1a3: {  	_ =	swait.ge @!p0 [sflag:s0], s1  }
0x1a4: {  	s1 =	ssub.s32 @!p0 $0x0, s1;
	[sflag:s0] =	ssyncset.done @!p0 $0x0  }
0x1a5: {  	[sflag:s0] =	ssyncadd.s32 @!p0 s1  }
0x1a6: {  	[bflag:$0x3] =	sbarrier.arrive $0xFFFF  }
0x1a7: {  	_ =	shalt  }

</sc_bundles>
